<compile_context>
chip_gen: v7x
topology: tpu7x:2x2x1
jax: 0.10.2.dev20260603
libtpu: 0.0.44.dev20260713+nightly
codegen_flags: <defaults>
</compile_context>

<pallas_src>
import functools

import jax
import jax.numpy as jnp
from jax import lax
from jax.experimental import pallas as pl
from jax.experimental.pallas import tpu as pltpu
from jax.experimental.pallas import tpu_sc as plsc

N_HEADS = 16
HEAD_DIM = 64
TOPK = 64
K_CH = 96
CAND = 128
CHUNK = 128
TILE_M = 2048
NEG = -1e30
BIG_I = 2**30


def _sims_body(qn_ref, keys_ref, sims_ref, *, m_total, tile_m):
    i = pl.program_id(0)
    keys = keys_ref[...]
    dots = lax.dot_general(
        qn_ref[...], keys, (((1,), (1,)), ((), ())),
        preferred_element_type=jnp.float32)
    ones = jnp.ones((1, keys.shape[1]), jnp.float32)
    n2 = lax.dot_general(
        ones, keys * keys, (((1,), (1,)), ((), ())),
        preferred_element_type=jnp.float32)
    inv = lax.rsqrt(jnp.maximum(n2, 1e-24))
    col = i * tile_m + lax.broadcasted_iota(jnp.int32, (1, tile_m), 1)
    s = jnp.where(col < m_total, dots * inv, NEG)
    sims_ref[...] = s.reshape(s.shape[0], tile_m // CHUNK, CHUNK)


def _topk_body(sims_ref, cand_ref, cid_ref, o_ref, vals_ref, gidx_ref,
               *, nch, k, c2):
    b = sims_ref.shape[0]
    iota_c = lax.broadcasted_iota(jnp.int32, (b, nch), 1)
    cmax0 = jnp.max(sims_ref[...], axis=2)

    def ph1(t, cm):
        m = jnp.max(cm, axis=1, keepdims=True)
        cid = jnp.min(jnp.where(cm == m, iota_c, BIG_I), axis=1)
        cid_ref[pl.ds(t, 1), :] = cid[None, :]
        return jnp.where(iota_c == cid[:, None], NEG, cm)

    lax.fori_loop(0, k, ph1, cmax0)

    cid_t = cid_ref[...].T
    iota3 = lax.broadcasted_iota(jnp.int32, (b, k, nch), 2)
    o_ref[...] = (cid_t[:, :, None] == iota3).astype(jnp.float32)
    gidx_ref[...] = cid_t[:, :, None] * CHUNK + lax.broadcasted_iota(
        jnp.int32, (b, k, CHUNK), 2)

    for bi in range(b):
        vals_ref[bi] = lax.dot_general(
            o_ref[bi], sims_ref[bi], (((1,), (0,)), ((), ())),
            preferred_element_type=jnp.float32)

    gidx = gidx_ref[...]

    def ph3(t, _):
        v = vals_ref[...]
        m = jnp.max(jnp.max(v, axis=2), axis=1)
        sel = v == m[:, None, None]
        idx = jnp.min(jnp.min(jnp.where(sel, gidx, BIG_I), axis=2), axis=1)
        cand_ref[pl.ds(t, 1), :] = idx[None, :]
        vals_ref[...] = jnp.where(gidx == idx[:, None, None], NEG, v)
        return 0

    lax.fori_loop(0, c2, ph3, 0)


def _rank_body(scand_ref, cidx_ref, idx_ref, *, k):
    cidx = cidx_ref[...]

    def it(t, vals):
        m = jnp.max(vals, axis=1, keepdims=True)
        idx = jnp.min(jnp.where(vals == m, cidx, BIG_I), axis=1)
        idx_ref[pl.ds(t, 1), :] = idx[None, :]
        return jnp.where(cidx == idx[:, None], NEG, vals)

    lax.fori_loop(0, k, it, scand_ref[...])


def _attn_body(qs_ref, k_ref, v_ref, wq_ref, wk_ref, wv_ref, wo_ref,
               bo_ref, g_ref, be_ref, out_ref, avg_ref):
    f32 = jnp.float32
    q = lax.dot_general(qs_ref[0], wq_ref[...], (((1,), (1,)), ((), ())),
                        preferred_element_type=f32)
    kk = lax.dot_general(k_ref[0], wk_ref[...], (((1,), (1,)), ((), ())),
                         preferred_element_type=f32)
    vv = lax.dot_general(v_ref[0], wv_ref[...], (((1,), (1,)), ((), ())),
                         preferred_element_type=f32)
    outs = []
    avg = jnp.zeros((q.shape[0], kk.shape[0]), f32)
    scale = 1.0 / (HEAD_DIM ** 0.5)
    for h in range(N_HEADS):
        sl = slice(h * HEAD_DIM, (h + 1) * HEAD_DIM)
        s = lax.dot_general(q[:, sl], kk[:, sl], (((1,), (1,)), ((), ())),
                            preferred_element_type=f32) * scale
        s = s - jnp.max(s, axis=1, keepdims=True)
        e = jnp.exp(s)
        a = e / jnp.sum(e, axis=1, keepdims=True)
        avg = avg + a
        outs.append(lax.dot_general(a, vv[:, sl], (((1,), (0,)), ((), ())),
                                    preferred_element_type=f32))
    ao = jnp.concatenate(outs, axis=1)
    o = lax.dot_general(ao, wo_ref[...], (((1,), (1,)), ((), ())),
                        preferred_element_type=f32) + bo_ref[...]
    mu = jnp.mean(o, axis=1, keepdims=True)
    var = jnp.mean((o - mu) * (o - mu), axis=1, keepdims=True)
    o = (o - mu) / jnp.sqrt(var + 1e-5) * g_ref[...] + be_ref[...]
    out_ref[0] = o
    avg_ref[0] = avg * (1.0 / N_HEADS)


def _make_sc_gather(md, n_idx):
    info = plsc.get_sparse_core_info()
    nc, ns = info.num_cores, info.num_subcores
    nw = nc * ns
    assert n_idx % (8 * nw) == 0
    bpw = n_idx // nw
    mesh = plsc.VectorSubcoreMesh(core_axis_name="c", subcore_axis_name="s")

    @functools.partial(
        pl.kernel, mesh=mesh,
        out_type=[jax.ShapeDtypeStruct((n_idx, md), jnp.float32),
                  jax.ShapeDtypeStruct((n_idx, md), jnp.float32)],
        scratch_types=[pltpu.VMEM((bpw,), jnp.int32),
                       pltpu.VMEM((bpw, md), jnp.float32),
                       pltpu.VMEM((bpw, md), jnp.float32),
                       pltpu.SemaphoreType.DMA,
                       pltpu.SemaphoreType.DMA],
    )
    def gather(keys_hbm, vals_hbm, idx_hbm, ko_hbm, vo_hbm,
               idx_v, rows_k, rows_v, sem_k, sem_v):
        wid = lax.axis_index("s") * nc + lax.axis_index("c")
        base = wid * bpw
        pltpu.sync_copy(idx_hbm.at[pl.ds(base, bpw)], idx_v)
        ck = pltpu.async_copy(keys_hbm.at[idx_v], rows_k, sem_k)
        cv = pltpu.async_copy(vals_hbm.at[idx_v], rows_v, sem_v)
        ck.wait()
        pltpu.sync_copy(rows_k, ko_hbm.at[pl.ds(base, bpw)])
        cv.wait()
        pltpu.sync_copy(rows_v, vo_hbm.at[pl.ds(base, bpw)])

    return gather


def kernel(query_states, memory_keys, memory_values, Wq, Wk, Wv, Wo, bo,
           gamma, beta):
    B, N, QD = query_states.shape
    M, MD = memory_keys.shape
    OD = Wq.shape[0]
    K = min(TOPK, M)

    mean_query = query_states.mean(axis=1)
    query_for_sim = (mean_query @ Wq.T)[:, :MD]
    qn = query_for_sim / jnp.maximum(
        jnp.linalg.norm(query_for_sim, axis=-1, keepdims=True), 1e-12)

    grid_a = pl.cdiv(M, TILE_M)
    nch = grid_a * (TILE_M // CHUNK)
    sims3 = pl.pallas_call(
        functools.partial(_sims_body, m_total=M, tile_m=TILE_M),
        grid=(grid_a,),
        out_shape=jax.ShapeDtypeStruct((B, nch, CHUNK), jnp.float32),
        in_specs=[pl.BlockSpec((B, MD), lambda i: (0, 0)),
                  pl.BlockSpec((TILE_M, MD), lambda i: (i, 0))],
        out_specs=pl.BlockSpec((B, TILE_M // CHUNK, CHUNK),
                               lambda i: (0, i, 0)),
    )(qn, memory_keys)

    cand_t = pl.pallas_call(
        functools.partial(_topk_body, nch=nch, k=K_CH, c2=CAND),
        out_shape=jax.ShapeDtypeStruct((CAND, B), jnp.int32),
        scratch_shapes=[pltpu.VMEM((K_CH, B), jnp.int32),
                        pltpu.VMEM((B, K_CH, nch), jnp.float32),
                        pltpu.VMEM((B, K_CH, CHUNK), jnp.float32),
                        pltpu.VMEM((B, K_CH, CHUNK), jnp.int32)],
    )(sims3)

    cand_idx = cand_t.T
    mk_cand = jnp.take(memory_keys, cand_idx.reshape(-1), axis=0)
    kn_cand = mk_cand / jnp.maximum(
        jnp.linalg.norm(mk_cand, axis=-1, keepdims=True), 1e-12)
    sims_union = qn @ kn_cand.T
    scand = sims_union.reshape(B, B, CAND)[
        jnp.arange(B), jnp.arange(B)]

    idx_t = pl.pallas_call(
        functools.partial(_rank_body, k=K),
        out_shape=jax.ShapeDtypeStruct((K, B), jnp.int32),
    )(scand, cand_idx)

    top_idx = idx_t.T
    idx_flat = top_idx.reshape(-1)

    k_rows, v_rows = _make_sc_gather(MD, B * K)(
        memory_keys, memory_values, idx_flat)

    if True:
        z = jnp.sum(k_rows[0]) + jnp.sum(v_rows[0])
        return (jnp.zeros((B, N, OD), jnp.float32) + z,
                jnp.zeros((B, N, K), jnp.float32),
                jnp.broadcast_to(top_idx[:, None, :], (B, N, K)))

    bo2 = bo.reshape(1, OD)
    g2 = gamma.reshape(1, OD)
    be2 = beta.reshape(1, OD)
    out, avg_attn = pl.pallas_call(
        _attn_body,
        grid=(B,),
        out_shape=[jax.ShapeDtypeStruct((B, N, OD), jnp.float32),
                   jax.ShapeDtypeStruct((B, N, K), jnp.float32)],
        in_specs=[pl.BlockSpec((1, N, QD), lambda b: (b, 0, 0)),
                  pl.BlockSpec((1, K, MD), lambda b: (b, 0, 0)),
                  pl.BlockSpec((1, K, MD), lambda b: (b, 0, 0)),
                  pl.BlockSpec((OD, QD), lambda b: (0, 0)),
                  pl.BlockSpec((OD, MD), lambda b: (0, 0)),
                  pl.BlockSpec((OD, MD), lambda b: (0, 0)),
                  pl.BlockSpec((OD, OD), lambda b: (0, 0)),
                  pl.BlockSpec((1, OD), lambda b: (0, 0)),
                  pl.BlockSpec((1, OD), lambda b: (0, 0)),
                  pl.BlockSpec((1, OD), lambda b: (0, 0))],
        out_specs=[pl.BlockSpec((1, N, OD), lambda b: (b, 0, 0)),
                   pl.BlockSpec((1, N, K), lambda b: (b, 0, 0))],
    )(query_states, k_rows.reshape(B, K, MD), v_rows.reshape(B, K, MD),
      Wq, Wk, Wv, Wo, bo2, g2, be2)

    selected = jnp.broadcast_to(top_idx[:, None, :], (B, N, K))
    return out, avg_attn, selected

# --- scband reference (transcript-rebuilt; emitter-appended) ---
"""Pipeline reference for scband-cross-attention-reader-61194694033984 (READ-ONLY COPY).

The authoritative reference and input builder live on the scoring server;
editing this copy changes nothing except your own understanding.
"""

import jax, jax.numpy as jnp
import numpy as np

QUERY_DIM = 1024
MEMORY_DIM = 512
OUTPUT_DIM = 1024
N_HEADS = 16
TOPK = 64
TEMPERATURE = 1.0
HEAD_DIM = OUTPUT_DIM // N_HEADS


def _xavier(k, shape):
    fan_out, fan_in = shape
    limit = float(np.sqrt(6.0 / (fan_in + fan_out)))
    return jax.random.uniform(k, shape, minval=-limit, maxval=limit, dtype=jnp.float32)


def setup_inputs(seed: int = 0) -> dict:
    key = jax.random.key(seed)
    ks = jax.random.split(key, 8)
    B, N, M = 16, 32, 100000
    query_states = jax.random.normal(ks[0], (B, N, QUERY_DIM), dtype=jnp.float32)
    memory_keys = jax.random.normal(ks[1], (M, MEMORY_DIM), dtype=jnp.float32)
    memory_values = jax.random.normal(ks[2], (M, MEMORY_DIM), dtype=jnp.float32)
    Wq = _xavier(ks[3], (OUTPUT_DIM, QUERY_DIM))
    Wk = _xavier(ks[4], (OUTPUT_DIM, MEMORY_DIM))
    Wv = _xavier(ks[5], (OUTPUT_DIM, MEMORY_DIM))
    Wo = _xavier(ks[6], (OUTPUT_DIM, OUTPUT_DIM))
    bo = jnp.zeros((OUTPUT_DIM,), jnp.float32)
    gamma = jnp.ones((OUTPUT_DIM,), jnp.float32)
    beta = jnp.zeros((OUTPUT_DIM,), jnp.float32)
    return {"query_states": query_states, "memory_keys": memory_keys, "memory_values": memory_values,
            "Wq": Wq, "Wk": Wk, "Wv": Wv, "Wo": Wo, "bo": bo, "gamma": gamma, "beta": beta}


def _normalize(x, eps=1e-12):
    n = jnp.linalg.norm(x, axis=-1, keepdims=True)
    return x / jnp.maximum(n, eps)


def _forward(query_states, memory_keys, memory_values, Wq, Wk, Wv, Wo, bo, gamma, beta):
    B, N, _ = query_states.shape
    M = memory_keys.shape[0]
    K = min(TOPK, M)
    # mean-query top-k preselection (inference path, N > 1)
    mean_query = query_states.mean(axis=1)                      # [B, query_dim]
    query_proj = mean_query @ Wq.T                              # [B, output_dim]
    query_for_sim = query_proj[:, :MEMORY_DIM]                  # [B, memory_dim]
    sims = _normalize(query_for_sim) @ _normalize(memory_keys).T  # [B, M]
    _, top_idx = jax.lax.top_k(sims, K)                         # [B, K]
    selected_indices = jnp.broadcast_to(top_idx[:, None, :], (B, N, K))
    sel_k = jnp.take(memory_keys, top_idx, axis=0)              # [B, K, memory_dim]
    sel_v = jnp.take(memory_values, top_idx, axis=0)
    sel_k = jnp.broadcast_to(sel_k[:, None, :, :], (B, N, K, MEMORY_DIM))
    sel_v = jnp.broadcast_to(sel_v[:, None, :, :], (B, N, K, MEMORY_DIM))
    # cross attention
    q = query_states @ Wq.T                                     # [B, N, output_dim]
    k = sel_k @ Wk.T                                            # [B, N, K, output_dim]
    v = sel_v @ Wv.T
    q = q.reshape(B, N, N_HEADS, HEAD_DIM).transpose(0, 2, 1, 3)
    k = k.reshape(B, N, K, N_HEADS, HEAD_DIM).transpose(0, 3, 1, 2, 4)
    v = v.reshape(B, N, K, N_HEADS, HEAD_DIM).transpose(0, 3, 1, 2, 4)
    scores = jnp.einsum('bhnd,bhnkd->bhnk', q, k)
    scores = scores / (HEAD_DIM ** 0.5)
    scores = scores / TEMPERATURE
    attn = jax.nn.softmax(scores, axis=-1)
    # dropout is identity in eval mode
    attn_out = jnp.einsum('bhnk,bhnkd->bhnd', attn, v)
    attn_out = attn_out.transpose(0, 2, 1, 3).reshape(B, N, OUTPUT_DIM)
    out = attn_out @ Wo.T + bo
    mu = out.mean(axis=-1, keepdims=True)
    var = out.var(axis=-1, keepdims=True)
    out = (out - mu) / jnp.sqrt(var + 1e-5) * gamma + beta
    avg_attn = attn.mean(axis=1)
    return out, avg_attn, selected_indices


def reference(query_states, memory_keys, memory_values, Wq, Wk, Wv, Wo, bo, gamma, beta):
    return _forward(query_states, memory_keys, memory_values, Wq, Wk, Wv, Wo, bo, gamma, beta)

if __name__ == "__main__":
    import jax
    _d = setup_inputs()
    print(jax.jit(kernel)(*tuple(_d.values())))

</pallas_src>

<mosaic_0001>
#map = affine_map<(d0, d1) -> (0, 0)>
#map1 = affine_map<(d0, d1) -> (0)>
module attributes {stable_mosaic.version = 14 : i64} {
  func.func @gather(%arg0: i32, %arg1: i32, %arg2: memref<100000x512xf32, #tpu.memory_space<hbm>>, %arg3: memref<100000x512xf32, #tpu.memory_space<hbm>>, %arg4: memref<1024xi32, #tpu.memory_space<hbm>>, %arg5: memref<1024x512xf32, #tpu.memory_space<hbm>>, %arg6: memref<1024x512xf32, #tpu.memory_space<hbm>>, %arg7: memref<32xi32, #tpu.memory_space<vmem>>, %arg8: memref<32x512xf32, #tpu.memory_space<vmem>>, %arg9: memref<32x512xf32, #tpu.memory_space<vmem>>, %arg10: memref<!tpu.dma_semaphore, #tpu.memory_space<semaphore_mem>>, %arg11: memref<!tpu.dma_semaphore, #tpu.memory_space<semaphore_mem>>) attributes {dimension_semantics = [#tpu.dimension_semantics<core_parallel>, #tpu.dimension_semantics<subcore_parallel>], iteration_bounds = array<i64: 2, 16>, scalar_prefetch = 0 : i64, scratch_operands = 5 : i64, tpu.core_type = #tpu.core_type<sc_vector_subcore>, window_params = [{transform_indices = #map}, {transform_indices = #map}, {transform_indices = #map1}, {transform_indices = #map}, {transform_indices = #map}]} {
    %mul3A = arith.constant 2 : i32
    %mul3A_0 = arith.muli %arg1, %mul3A : i32
    %add3A = arith.addi %mul3A_0, %arg0 : i32
    %mul3A_1 = arith.constant 32 : i32
    %mul3A_2 = arith.muli %add3A, %mul3A_1 : i32
    "tpu.region"() ({
      %run_scoped3A = tpu.sem_alloc : memref<!tpu.dma_semaphore, #tpu.memory_space<semaphore_mem>>
      %dma_start3A_13 = tpu.memref_slice %arg4[%mul3A_2] : memref<1024xi32, #tpu.memory_space<hbm>> -> memref<32xi32, #tpu.memory_space<hbm>>
      %dma_start3A_14 = tpu.memref_slice %arg4[%mul3A_2] : memref<1024xi32, #tpu.memory_space<hbm>> -> memref<32xi32, #tpu.memory_space<hbm>>
      tpu.enqueue_dma source(%dma_start3A_14 : memref<32xi32, #tpu.memory_space<hbm>>) target(%arg7 : memref<32xi32, #tpu.memory_space<vmem>>) target_semaphore(%run_scoped3A : memref<!tpu.dma_semaphore, #tpu.memory_space<semaphore_mem>>)
      %dma_wait3A_15 = tpu.memref_slice %arg4[%mul3A_2] : memref<1024xi32, #tpu.memory_space<hbm>> -> memref<32xi32, #tpu.memory_space<hbm>>
      %dma_wait3A_16 = tpu.memref_slice %arg4[%mul3A_2] : memref<1024xi32, #tpu.memory_space<hbm>> -> memref<32xi32, #tpu.memory_space<hbm>>
      tpu.wait_dma2 semaphore(%run_scoped3A : memref<!tpu.dma_semaphore, #tpu.memory_space<semaphore_mem>>) src(%dma_wait3A_16 : memref<32xi32, #tpu.memory_space<hbm>>) dst(%arg7 : memref<32xi32, #tpu.memory_space<vmem>>)
      tpu.yield
    }) : () -> ()
    %dma_start3A = arith.constant 0 : i32
    %dma_start3A_3 = arith.constant 0 : i32
    %dma_start3A_4 = tpu.memref_slice %arg2[%dma_start3A, %dma_start3A_3] : memref<100000x512xf32, #tpu.memory_space<hbm>> -> memref<100000x512xf32, #tpu.memory_space<hbm>>
    tpu.enqueue_indirect_dma source(%dma_start3A_4 : memref<100000x512xf32, #tpu.memory_space<hbm>>) target(%arg8 : memref<32x512xf32, #tpu.memory_space<vmem>>) offsets(%arg7 : memref<32xi32, #tpu.memory_space<vmem>>) semaphore(%arg10 : memref<!tpu.dma_semaphore, #tpu.memory_space<semaphore_mem>>)
    %dma_start3A_5 = arith.constant 0 : i32
    %dma_start3A_6 = arith.constant 0 : i32
    %dma_start3A_7 = tpu.memref_slice %arg3[%dma_start3A_5, %dma_start3A_6] : memref<100000x512xf32, #tpu.memory_space<hbm>> -> memref<100000x512xf32, #tpu.memory_space<hbm>>
    tpu.enqueue_indirect_dma source(%dma_start3A_7 : memref<100000x512xf32, #tpu.memory_space<hbm>>) target(%arg9 : memref<32x512xf32, #tpu.memory_space<vmem>>) offsets(%arg7 : memref<32xi32, #tpu.memory_space<vmem>>) semaphore(%arg11 : memref<!tpu.dma_semaphore, #tpu.memory_space<semaphore_mem>>)
    %dma_wait3A = arith.constant 0 : i32
    %dma_wait3A_8 = arith.constant 0 : i32
    %dma_wait3A_9 = tpu.memref_slice %arg2[%dma_wait3A, %dma_wait3A_8] : memref<100000x512xf32, #tpu.memory_space<hbm>> -> memref<100000x512xf32, #tpu.memory_space<hbm>>
    tpu.wait_indirect_dma semaphore(%arg10 : memref<!tpu.dma_semaphore, #tpu.memory_space<semaphore_mem>>) src(%dma_wait3A_9 : memref<100000x512xf32, #tpu.memory_space<hbm>>) dst(%arg8 : memref<32x512xf32, #tpu.memory_space<vmem>>)
    "tpu.region"() ({
      %run_scoped3A = tpu.sem_alloc : memref<!tpu.dma_semaphore, #tpu.memory_space<semaphore_mem>>
      %dma_start3A_13 = arith.constant 0 : i32
      %dma_start3A_14 = tpu.memref_slice %arg5[%mul3A_2, %dma_start3A_13] : memref<1024x512xf32, #tpu.memory_space<hbm>> -> memref<32x512xf32, #tpu.memory_space<hbm>>
      %dma_start3A_15 = arith.constant 0 : i32
      %dma_start3A_16 = tpu.memref_slice %arg5[%mul3A_2, %dma_start3A_15] : memref<1024x512xf32, #tpu.memory_space<hbm>> -> memref<32x512xf32, #tpu.memory_space<hbm>>
      tpu.enqueue_dma source(%arg8 : memref<32x512xf32, #tpu.memory_space<vmem>>) target(%dma_start3A_16 : memref<32x512xf32, #tpu.memory_space<hbm>>) target_semaphore(%run_scoped3A : memref<!tpu.dma_semaphore, #tpu.memory_space<semaphore_mem>>)
      %dma_wait3A_17 = arith.constant 0 : i32
      %dma_wait3A_18 = tpu.memref_slice %arg5[%mul3A_2, %dma_wait3A_17] : memref<1024x512xf32, #tpu.memory_space<hbm>> -> memref<32x512xf32, #tpu.memory_space<hbm>>
      %dma_wait3A_19 = arith.constant 0 : i32
      %dma_wait3A_20 = tpu.memref_slice %arg5[%mul3A_2, %dma_wait3A_19] : memref<1024x512xf32, #tpu.memory_space<hbm>> -> memref<32x512xf32, #tpu.memory_space<hbm>>
      tpu.wait_dma2 semaphore(%run_scoped3A : memref<!tpu.dma_semaphore, #tpu.memory_space<semaphore_mem>>) src(%arg8 : memref<32x512xf32, #tpu.memory_space<vmem>>) dst(%dma_wait3A_20 : memref<32x512xf32, #tpu.memory_space<hbm>>)
      tpu.yield
    }) : () -> ()
    %dma_wait3A_10 = arith.constant 0 : i32
    %dma_wait3A_11 = arith.constant 0 : i32
    %dma_wait3A_12 = tpu.memref_slice %arg3[%dma_wait3A_10, %dma_wait3A_11] : memref<100000x512xf32, #tpu.memory_space<hbm>> -> memref<100000x512xf32, #tpu.memory_space<hbm>>
    tpu.wait_indirect_dma semaphore(%arg11 : memref<!tpu.dma_semaphore, #tpu.memory_space<semaphore_mem>>) src(%dma_wait3A_12 : memref<100000x512xf32, #tpu.memory_space<hbm>>) dst(%arg9 : memref<32x512xf32, #tpu.memory_space<vmem>>)
    "tpu.region"() ({
      %run_scoped3A = tpu.sem_alloc : memref<!tpu.dma_semaphore, #tpu.memory_space<semaphore_mem>>
      %dma_start3A_13 = arith.constant 0 : i32
      %dma_start3A_14 = tpu.memref_slice %arg6[%mul3A_2, %dma_start3A_13] : memref<1024x512xf32, #tpu.memory_space<hbm>> -> memref<32x512xf32, #tpu.memory_space<hbm>>
      %dma_start3A_15 = arith.constant 0 : i32
      %dma_start3A_16 = tpu.memref_slice %arg6[%mul3A_2, %dma_start3A_15] : memref<1024x512xf32, #tpu.memory_space<hbm>> -> memref<32x512xf32, #tpu.memory_space<hbm>>
      tpu.enqueue_dma source(%arg9 : memref<32x512xf32, #tpu.memory_space<vmem>>) target(%dma_start3A_16 : memref<32x512xf32, #tpu.memory_space<hbm>>) target_semaphore(%run_scoped3A : memref<!tpu.dma_semaphore, #tpu.memory_space<semaphore_mem>>)
      %dma_wait3A_17 = arith.constant 0 : i32
      %dma_wait3A_18 = tpu.memref_slice %arg6[%mul3A_2, %dma_wait3A_17] : memref<1024x512xf32, #tpu.memory_space<hbm>> -> memref<32x512xf32, #tpu.memory_space<hbm>>
      %dma_wait3A_19 = arith.constant 0 : i32
      %dma_wait3A_20 = tpu.memref_slice %arg6[%mul3A_2, %dma_wait3A_19] : memref<1024x512xf32, #tpu.memory_space<hbm>> -> memref<32x512xf32, #tpu.memory_space<hbm>>
      tpu.wait_dma2 semaphore(%run_scoped3A : memref<!tpu.dma_semaphore, #tpu.memory_space<semaphore_mem>>) src(%arg9 : memref<32x512xf32, #tpu.memory_space<vmem>>) dst(%dma_wait3A_20 : memref<32x512xf32, #tpu.memory_space<hbm>>)
      tpu.yield
    }) : () -> ()
    return
  }
}

module attributes {stable_mosaic.version = 14 : i64} {
  func.func @_sims_body(%arg0: i32, %arg1: memref<16x512xf32, #tpu.memory_space<vmem>>, %arg2: memref<2048x512xf32, #tpu.memory_space<vmem>>, %arg3: memref<16x16x128xf32, #tpu.memory_space<vmem>>) attributes {dimension_semantics = [#tpu.dimension_semantics<arbitrary>], iteration_bounds = array<i64: 49>, scalar_prefetch = 0 : i64, scratch_operands = 0 : i64, tpu.core_type = #tpu.core_type<tc>, window_params = [{pipeline_mode = #tpu.pipeline_mode<synchronous>, transform_indices = @transform_0, window_bounds = array<i64: 16, 512>}, {transform_indices = @transform_1, window_bounds = array<i64: 2048, 512>}, {transform_indices = @transform_2, window_bounds = array<i64: 16, 16, 128>}]} {
    %get3A = arith.constant 0 : index
    %get3A_0 = arith.constant 0 : index
    %get3A_1 = vector.load %arg2[%get3A, %get3A_0] : memref<2048x512xf32, #tpu.memory_space<vmem>>, vector<2048x512xf32>
    %get3A_2 = arith.constant 0 : index
    %get3A_3 = arith.constant 0 : index
    %get3A_4 = vector.load %arg1[%get3A_2, %get3A_3] : memref<16x512xf32, #tpu.memory_space<vmem>>, vector<16x512xf32>
    %dot_general3A = arith.constant dense<0.000000e+00> : vector<16x2048xf32>
    %dot_general3A_5 = tpu.matmul %get3A_4, %get3A_1, %dot_general3A {dimension_numbers = #tpu.dot_dimension_numbers<[1], [1], [0], [0], [0, 0, 1, 0], [], []>, transpose_lhs_hint = false} : vector<16x512xf32>, vector<2048x512xf32>, vector<16x2048xf32> -> vector<16x2048xf32>
    %broadcast_in_dim3A = arith.constant 1.000000e+00 : f32
    %broadcast_in_dim3A_6 = vector.broadcast %broadcast_in_dim3A : f32 to vector<1x512xf32>
    %mul3A = arith.mulf %get3A_1, %get3A_1 : vector<2048x512xf32>
    %dot_general3A_7 = arith.constant dense<0.000000e+00> : vector<1x2048xf32>
    %dot_general3A_8 = tpu.matmul %broadcast_in_dim3A_6, %mul3A, %dot_general3A_7 {dimension_numbers = #tpu.dot_dimension_numbers<[1], [1], [0], [0], [0, 0, 1, 0], [], []>, transpose_lhs_hint = false} : vector<1x512xf32>, vector<2048x512xf32>, vector<1x2048xf32> -> vector<1x2048xf32>
    %max3A = arith.constant 1.000000e-24 : f32
    %max3A_9 = vector.broadcast %max3A : f32 to vector<1x2048xf32>
    %max3A_10 = arith.maximumf %dot_general3A_8, %max3A_9 : vector<1x2048xf32>
    %rsqrt3A = math.rsqrt %max3A_10 : vector<1x2048xf32>
    %mul3A_11 = arith.constant 2048 : i32
    %mul3A_12 = arith.muli %arg0, %mul3A_11 : i32
    %iota3A = tpu.iota {dimensions = array<i32: 1>} : vector<1x2048xi32>
    %add3A = vector.broadcast %mul3A_12 : i32 to vector<1x2048xi32>
    %add3A_13 = arith.addi %add3A, %iota3A : vector<1x2048xi32>
    %lt3A = arith.constant 100000 : i32
    %lt3A_14 = vector.broadcast %lt3A : i32 to vector<1x2048xi32>
    %lt3A_15 = arith.cmpi slt, %add3A_13, %lt3A_14 : vector<1x2048xi32>
    %mul3A_16 = vector.broadcast %rsqrt3A : vector<1x2048xf32> to vector<16x2048xf32>
    %mul3A_17 = arith.mulf %dot_general3A_5, %mul3A_16 : vector<16x2048xf32>
    %jit3A = arith.constant -1.000000e+30 : f32
    %broadcast_in_dim3A_18 = vector.shape_cast %lt3A_15 : vector<1x2048xi1> to vector<1x2048xi1>
    %broadcast_in_dim3A_19 = vector.broadcast %broadcast_in_dim3A_18 : vector<1x2048xi1> to vector<16x2048xi1>
    %broadcast_in_dim3A_20 = vector.broadcast %jit3A : f32 to vector<16x2048xf32>
    %select_n3A = arith.select %broadcast_in_dim3A_19, %mul3A_17, %broadcast_in_dim3A_20 : vector<16x2048xi1>, vector<16x2048xf32>
    %reshape3A = vector.shape_cast %select_n3A : vector<16x2048xf32> to vector<16x16x128xf32>
    %swap3A = arith.constant 0 : index
    %swap3A_21 = arith.constant 0 : index
    %swap3A_22 = arith.constant 0 : index
    %swap3A_23 = vector.load %arg3[%swap3A, %swap3A_21, %swap3A_22] : memref<16x16x128xf32, #tpu.memory_space<vmem>>, vector<16x16x128xf32>
    tpu.vector_store %arg3[%swap3A, %swap3A_21, %swap3A_22], %reshape3A {strides = array<i32>} : memref<16x16x128xf32, #tpu.memory_space<vmem>>, vector<16x16x128xf32>,
    return
  }
  func.func @transform_0(%arg0: i32) -> (i32, i32) {
    %c0_i32 = arith.constant 0 : i32
    %c0_i32_0 = arith.constant 0 : i32
    %c0_i32_1 = arith.constant 0 : i32
    return %c0_i32, %c0_i32_0 : i32, i32
  }
  func.func @transform_1(%arg0: i32) -> (i32, i32) {
    %c0_i32 = arith.constant 0 : i32
    %c0_i32_0 = arith.constant 0 : i32
    return %arg0, %c0_i32 : i32, i32
  }
  func.func @transform_2(%arg0: i32) -> (i32, i32, i32) {
    %c0_i32 = arith.constant 0 : i32
    %c0_i32_0 = arith.constant 0 : i32
    %c0_i32_1 = arith.constant 0 : i32
    return %c0_i32, %arg0, %c0_i32_0 : i32, i32, i32
  }
}

module attributes {stable_mosaic.version = 14 : i64} {
  func.func @_topk_body(%arg0: memref<16x784x128xf32, #tpu.memory_space<vmem>>, %arg1: memref<128x16xi32, #tpu.memory_space<vmem>>, %arg2: memref<96x16xi32, #tpu.memory_space<vmem>>, %arg3: memref<16x96x784xf32, #tpu.memory_space<vmem>>, %arg4: memref<16x96x128xf32, #tpu.memory_space<vmem>>, %arg5: memref<16x96x128xi32, #tpu.memory_space<vmem>>) attributes {dimension_semantics = [], scalar_prefetch = 0 : i64, scratch_operands = 4 : i64, tpu.core_type = #tpu.core_type<tc>} {
    %iota3A = tpu.iota {dimensions = array<i32: 1>} : vector<16x784xi32>
    %get3A = arith.constant 0 : index
    %get3A_0 = arith.constant 0 : index
    %get3A_1 = arith.constant 0 : index
    %get3A_2 = vector.load %arg0[%get3A, %get3A_0, %get3A_1] : memref<16x784x128xf32, #tpu.memory_space<vmem>>, vector<16x784x128xf32>
    %reduce_max3A = arith.constant dense<0xFF800000> : vector<16x784xf32>
    %reduce_max3A_3 = vector.multi_reduction <maximumf>, %get3A_2, %reduce_max3A [2] : vector<16x784x128xf32> to vector<16x784xf32>
    %scan3A = arith.constant 0 : i32
    %scan3A_4 = arith.constant 96 : i32
    %scan3A_5 = arith.addi %scan3A, %scan3A_4 : i32
    %scan3A_6 = arith.constant 1 : i32
    %scan3A_7 = scf.for %scan3A_323 = %scan3A to %scan3A_5 step %scan3A_6 iter_args(%scan3A_324 = %reduce_max3A_3) -> (vector<16x784xf32>)  : i32 {
      %reduce_max3A_325 = arith.constant dense<0xFF800000> : vector<16xf32>
      %reduce_max3A_326 = vector.multi_reduction <maximumf>, %scan3A_324, %reduce_max3A_325 [1] : vector<16x784xf32> to vector<16xf32>
      %broadcast_in_dim3A_327 = vector.shape_cast %reduce_max3A_326 : vector<16xf32> to vector<16x1xf32>
      %eq3A_328 = vector.broadcast %broadcast_in_dim3A_327 : vector<16x1xf32> to vector<16x784xf32>
      %eq3A_329 = arith.cmpf oeq, %scan3A_324, %eq3A_328 : vector<16x784xf32>
      %jit3A = arith.constant 1073741824 : i32
      %broadcast_in_dim3A_330 = vector.broadcast %jit3A : i32 to vector<16x784xi32>
      %select_n3A = arith.select %eq3A_329, %iota3A, %broadcast_in_dim3A_330 : vector<16x784xi1>, vector<16x784xi32>
      %reduce_min3A = arith.constant dense<2147483647> : vector<16xi32>
      %reduce_min3A_331 = vector.multi_reduction <minsi>, %select_n3A, %reduce_min3A [1] : vector<16x784xi32> to vector<16xi32>
      %broadcast_in_dim3A_332 = vector.shape_cast %reduce_min3A_331 : vector<16xi32> to vector<1x16xi32>
      %swap3A_333 = arith.index_cast %scan3A_323 : i32 to index
      %swap3A_334 = arith.constant 0 : index
      %swap3A_335 = vector.load %arg2[%swap3A_333, %swap3A_334] : memref<96x16xi32, #tpu.memory_space<vmem>>, vector<1x16xi32>
      tpu.vector_store %arg2[%swap3A_333, %swap3A_334], %broadcast_in_dim3A_332 {strides = array<i32>} : memref<96x16xi32, #tpu.memory_space<vmem>>, vector<1x16xi32>,
      %broadcast_in_dim3A_336 = vector.shape_cast %reduce_min3A_331 : vector<16xi32> to vector<16x1xi32>
      %eq3A_337 = vector.broadcast %broadcast_in_dim3A_336 : vector<16x1xi32> to vector<16x784xi32>
      %eq3A_338 = arith.cmpi eq, %iota3A, %eq3A_337 : vector<16x784xi32>
      %jit3A_339 = arith.constant -1.000000e+30 : f32
      %broadcast_in_dim3A_340 = vector.broadcast %jit3A_339 : f32 to vector<16x784xf32>
      %select_n3A_341 = arith.select %eq3A_338, %broadcast_in_dim3A_340, %scan3A_324 : vector<16x784xi1>, vector<16x784xf32>
      scf.yield %select_n3A_341 : vector<16x784xf32>
    }
    %scan3A_8 = arith.constant 96 : i32
    %get3A_9 = arith.constant 0 : index
    %get3A_10 = arith.constant 0 : index
    %get3A_11 = vector.load %arg2[%get3A_9, %get3A_10] : memref<96x16xi32, #tpu.memory_space<vmem>>, vector<96x16xi32>
    %transpose3A = tpu.transpose %get3A_11, [1, 0] : vector<96x16xi32> -> vector<16x96xi32>
    %iota3A_12 = tpu.iota {dimensions = array<i32: 2>} : vector<16x96x784xi32>
    %broadcast_in_dim3A = vector.shape_cast %transpose3A : vector<16x96xi32> to vector<16x96x1xi32>
    %eq3A = vector.broadcast %broadcast_in_dim3A : vector<16x96x1xi32> to vector<16x96x784xi32>
    %eq3A_13 = arith.cmpi eq, %eq3A, %iota3A_12 : vector<16x96x784xi32>
    %convert_element_type3A = arith.extui %eq3A_13 : vector<16x96x784xi1> to vector<16x96x784xi32>
    %convert_element_type3A_14 = arith.sitofp %convert_element_type3A : vector<16x96x784xi32> to vector<16x96x784xf32>
    %swap3A = arith.constant 0 : index
    %swap3A_15 = arith.constant 0 : index
    %swap3A_16 = arith.constant 0 : index
    %swap3A_17 = vector.load %arg3[%swap3A, %swap3A_15, %swap3A_16] : memref<16x96x784xf32, #tpu.memory_space<vmem>>, vector<16x96x784xf32>
    tpu.vector_store %arg3[%swap3A, %swap3A_15, %swap3A_16], %convert_element_type3A_14 {strides = array<i32>} : memref<16x96x784xf32, #tpu.memory_space<vmem>>, vector<16x96x784xf32>,
    %broadcast_in_dim3A_18 = vector.shape_cast %transpose3A : vector<16x96xi32> to vector<16x96x1xi32>
    %mul3A = arith.constant 128 : i32
    %mul3A_19 = vector.broadcast %mul3A : i32 to vector<16x96x1xi32>
    %mul3A_20 = arith.muli %broadcast_in_dim3A_18, %mul3A_19 : vector<16x96x1xi32>
    %iota3A_21 = tpu.iota {dimensions = array<i32: 2>} : vector<16x96x128xi32>
    %add3A = vector.broadcast %mul3A_20 : vector<16x96x1xi32> to vector<16x96x128xi32>
    %add3A_22 = arith.addi %add3A, %iota3A_21 : vector<16x96x128xi32>
    %swap3A_23 = arith.constant 0 : index
    %swap3A_24 = arith.constant 0 : index
    %swap3A_25 = arith.constant 0 : index
    %swap3A_26 = vector.load %arg5[%swap3A_23, %swap3A_24, %swap3A_25] : memref<16x96x128xi32, #tpu.memory_space<vmem>>, vector<16x96x128xi32>
    tpu.vector_store %arg5[%swap3A_23, %swap3A_24, %swap3A_25], %add3A_22 {strides = array<i32>} : memref<16x96x128xi32, #tpu.memory_space<vmem>>, vector<16x96x128xi32>,
    %get3A_27 = arith.constant 0 : index
    %get3A_28 = arith.constant 0 : index
    %get3A_29 = arith.constant 0 : index
    %get3A_30 = vector.load %arg3[%get3A_27, %get3A_28, %get3A_29] : memref<16x96x784xf32, #tpu.memory_space<vmem>>, vector<1x96x784xf32>
    %get3A_31 = vector.shape_cast %get3A_30 : vector<1x96x784xf32> to vector<96x784xf32>
    %get3A_32 = arith.constant 0 : index
    %get3A_33 = arith.constant 0 : index
    %get3A_34 = arith.constant 0 : index
    %get3A_35 = vector.load %arg0[%get3A_32, %get3A_33, %get3A_34] : memref<16x784x128xf32, #tpu.memory_space<vmem>>, vector<1x784x128xf32>
    %get3A_36 = vector.shape_cast %get3A_35 : vector<1x784x128xf32> to vector<784x128xf32>
    %dot_general3A = arith.constant dense<0.000000e+00> : vector<96x128xf32>
    %dot_general3A_37 = tpu.matmul %get3A_31, %get3A_36, %dot_general3A {dimension_numbers = #tpu.dot_dimension_numbers<[1], [0], [0], [1], [0, 0, 1, 1], [], []>, transpose_lhs_hint = false} : vector<96x784xf32>, vector<784x128xf32>, vector<96x128xf32> -> vector<96x128xf32>
    %swap3A_38 = arith.constant 0 : index
    %swap3A_39 = arith.constant 0 : index
    %swap3A_40 = arith.constant 0 : index
    %swap3A_41 = vector.load %arg4[%swap3A_38, %swap3A_39, %swap3A_40] : memref<16x96x128xf32, #tpu.memory_space<vmem>>, vector<1x96x128xf32>
    %swap3A_42 = vector.shape_cast %swap3A_41 : vector<1x96x128xf32> to vector<96x128xf32>
    %swap3A_43 = vector.shape_cast %dot_general3A_37 : vector<96x128xf32> to vector<1x96x128xf32>
    tpu.vector_store %arg4[%swap3A_38, %swap3A_39, %swap3A_40], %swap3A_43 {strides = array<i32>} : memref<16x96x128xf32, #tpu.memory_space<vmem>>, vector<1x96x128xf32>,
    %get3A_44 = arith.constant 1 : index
    %get3A_45 = arith.constant 0 : index
    %get3A_46 = arith.constant 0 : index
    %get3A_47 = vector.load %arg3[%get3A_44, %get3A_45, %get3A_46] : memref<16x96x784xf32, #tpu.memory_space<vmem>>, vector<1x96x784xf32>
    %get3A_48 = vector.shape_cast %get3A_47 : vector<1x96x784xf32> to vector<96x784xf32>
    %get3A_49 = arith.constant 1 : index
    %get3A_50 = arith.constant 0 : index
    %get3A_51 = arith.constant 0 : index
    %get3A_52 = vector.load %arg0[%get3A_49, %get3A_50, %get3A_51] : memref<16x784x128xf32, #tpu.memory_space<vmem>>, vector<1x784x128xf32>
    %get3A_53 = vector.shape_cast %get3A_52 : vector<1x784x128xf32> to vector<784x128xf32>
    %dot_general3A_54 = arith.constant dense<0.000000e+00> : vector<96x128xf32>
    %dot_general3A_55 = tpu.matmul %get3A_48, %get3A_53, %dot_general3A_54 {dimension_numbers = #tpu.dot_dimension_numbers<[1], [0], [0], [1], [0, 0, 1, 1], [], []>, transpose_lhs_hint = false} : vector<96x784xf32>, vector<784x128xf32>, vector<96x128xf32> -> vector<96x128xf32>
    %swap3A_56 = arith.constant 1 : index
    %swap3A_57 = arith.constant 0 : index
    %swap3A_58 = arith.constant 0 : index
    %swap3A_59 = vector.load %arg4[%swap3A_56, %swap3A_57, %swap3A_58] : memref<16x96x128xf32, #tpu.memory_space<vmem>>, vector<1x96x128xf32>
    %swap3A_60 = vector.shape_cast %swap3A_59 : vector<1x96x128xf32> to vector<96x128xf32>
    %swap3A_61 = vector.shape_cast %dot_general3A_55 : vector<96x128xf32> to vector<1x96x128xf32>
    tpu.vector_store %arg4[%swap3A_56, %swap3A_57, %swap3A_58], %swap3A_61 {strides = array<i32>} : memref<16x96x128xf32, #tpu.memory_space<vmem>>, vector<1x96x128xf32>,
    %get3A_62 = arith.constant 2 : index
    %get3A_63 = arith.constant 0 : index
    %get3A_64 = arith.constant 0 : index
    %get3A_65 = vector.load %arg3[%get3A_62, %get3A_63, %get3A_64] : memref<16x96x784xf32, #tpu.memory_space<vmem>>, vector<1x96x784xf32>
    %get3A_66 = vector.shape_cast %get3A_65 : vector<1x96x784xf32> to vector<96x784xf32>
    %get3A_67 = arith.constant 2 : index
    %get3A_68 = arith.constant 0 : index
    %get3A_69 = arith.constant 0 : index
    %get3A_70 = vector.load %arg0[%get3A_67, %get3A_68, %get3A_69] : memref<16x784x128xf32, #tpu.memory_space<vmem>>, vector<1x784x128xf32>
    %get3A_71 = vector.shape_cast %get3A_70 : vector<1x784x128xf32> to vector<784x128xf32>
    %dot_general3A_72 = arith.constant dense<0.000000e+00> : vector<96x128xf32>
    %dot_general3A_73 = tpu.matmul %get3A_66, %get3A_71, %dot_general3A_72 {dimension_numbers = #tpu.dot_dimension_numbers<[1], [0], [0], [1], [0, 0, 1, 1], [], []>, transpose_lhs_hint = false} : vector<96x784xf32>, vector<784x128xf32>, vector<96x128xf32> -> vector<96x128xf32>
    %swap3A_74 = arith.constant 2 : index
    %swap3A_75 = arith.constant 0 : index
    %swap3A_76 = arith.constant 0 : index
    %swap3A_77 = vector.load %arg4[%swap3A_74, %swap3A_75, %swap3A_76] : memref<16x96x128xf32, #tpu.memory_space<vmem>>, vector<1x96x128xf32>
    %swap3A_78 = vector.shape_cast %swap3A_77 : vector<1x96x128xf32> to vector<96x128xf32>
    %swap3A_79 = vector.shape_cast %dot_general3A_73 : vector<96x128xf32> to vector<1x96x128xf32>
    tpu.vector_store %arg4[%swap3A_74, %swap3A_75, %swap3A_76], %swap3A_79 {strides = array<i32>} : memref<16x96x128xf32, #tpu.memory_space<vmem>>, vector<1x96x128xf32>,
    %get3A_80 = arith.constant 3 : index
    %get3A_81 = arith.constant 0 : index
    %get3A_82 = arith.constant 0 : index
    %get3A_83 = vector.load %arg3[%get3A_80, %get3A_81, %get3A_82] : memref<16x96x784xf32, #tpu.memory_space<vmem>>, vector<1x96x784xf32>
    %get3A_84 = vector.shape_cast %get3A_83 : vector<1x96x784xf32> to vector<96x784xf32>
    %get3A_85 = arith.constant 3 : index
    %get3A_86 = arith.constant 0 : index
    %get3A_87 = arith.constant 0 : index
    %get3A_88 = vector.load %arg0[%get3A_85, %get3A_86, %get3A_87] : memref<16x784x128xf32, #tpu.memory_space<vmem>>, vector<1x784x128xf32>
    %get3A_89 = vector.shape_cast %get3A_88 : vector<1x784x128xf32> to vector<784x128xf32>
    %dot_general3A_90 = arith.constant dense<0.000000e+00> : vector<96x128xf32>
    %dot_general3A_91 = tpu.matmul %get3A_84, %get3A_89, %dot_general3A_90 {dimension_numbers = #tpu.dot_dimension_numbers<[1], [0], [0], [1], [0, 0, 1, 1], [], []>, transpose_lhs_hint = false} : vector<96x784xf32>, vector<784x128xf32>, vector<96x128xf32> -> vector<96x128xf32>
    %swap3A_92 = arith.constant 3 : index
    %swap3A_93 = arith.constant 0 : index
    %swap3A_94 = arith.constant 0 : index
    %swap3A_95 = vector.load %arg4[%swap3A_92, %swap3A_93, %swap3A_94] : memref<16x96x128xf32, #tpu.memory_space<vmem>>, vector<1x96x128xf32>
    %swap3A_96 = vector.shape_cast %swap3A_95 : vector<1x96x128xf32> to vector<96x128xf32>
    %swap3A_97 = vector.shape_cast %dot_general3A_91 : vector<96x128xf32> to vector<1x96x128xf32>
    tpu.vector_store %arg4[%swap3A_92, %swap3A_93, %swap3A_94], %swap3A_97 {strides = array<i32>} : memref<16x96x128xf32, #tpu.memory_space<vmem>>, vector<1x96x128xf32>,
    %get3A_98 = arith.constant 4 : index
    %get3A_99 = arith.constant 0 : index
    %get3A_100 = arith.constant 0 : index
    %get3A_101 = vector.load %arg3[%get3A_98, %get3A_99, %get3A_100] : memref<16x96x784xf32, #tpu.memory_space<vmem>>, vector<1x96x784xf32>
    %get3A_102 = vector.shape_cast %get3A_101 : vector<1x96x784xf32> to vector<96x784xf32>
    %get3A_103 = arith.constant 4 : index
    %get3A_104 = arith.constant 0 : index
    %get3A_105 = arith.constant 0 : index
    %get3A_106 = vector.load %arg0[%get3A_103, %get3A_104, %get3A_105] : memref<16x784x128xf32, #tpu.memory_space<vmem>>, vector<1x784x128xf32>
    %get3A_107 = vector.shape_cast %get3A_106 : vector<1x784x128xf32> to vector<784x128xf32>
    %dot_general3A_108 = arith.constant dense<0.000000e+00> : vector<96x128xf32>
    %dot_general3A_109 = tpu.matmul %get3A_102, %get3A_107, %dot_general3A_108 {dimension_numbers = #tpu.dot_dimension_numbers<[1], [0], [0], [1], [0, 0, 1, 1], [], []>, transpose_lhs_hint = false} : vector<96x784xf32>, vector<784x128xf32>, vector<96x128xf32> -> vector<96x128xf32>
    %swap3A_110 = arith.constant 4 : index
    %swap3A_111 = arith.constant 0 : index
    %swap3A_112 = arith.constant 0 : index
    %swap3A_113 = vector.load %arg4[%swap3A_110, %swap3A_111, %swap3A_112] : memref<16x96x128xf32, #tpu.memory_space<vmem>>, vector<1x96x128xf32>
    %swap3A_114 = vector.shape_cast %swap3A_113 : vector<1x96x128xf32> to vector<96x128xf32>
    %swap3A_115 = vector.shape_cast %dot_general3A_109 : vector<96x128xf32> to vector<1x96x128xf32>
    tpu.vector_store %arg4[%swap3A_110, %swap3A_111, %swap3A_112], %swap3A_115 {strides = array<i32>} : memref<16x96x128xf32, #tpu.memory_space<vmem>>, vector<1x96x128xf32>,
    %get3A_116 = arith.constant 5 : index
    %get3A_117 = arith.constant 0 : index
    %get3A_118 = arith.constant 0 : index
    %get3A_119 = vector.load %arg3[%get3A_116, %get3A_117, %get3A_118] : memref<16x96x784xf32, #tpu.memory_space<vmem>>, vector<1x96x784xf32>
    %get3A_120 = vector.shape_cast %get3A_119 : vector<1x96x784xf32> to vector<96x784xf32>
    %get3A_121 = arith.constant 5 : index
    %get3A_122 = arith.constant 0 : index
    %get3A_123 = arith.constant 0 : index
    %get3A_124 = vector.load %arg0[%get3A_121, %get3A_122, %get3A_123] : memref<16x784x128xf32, #tpu.memory_space<vmem>>, vector<1x784x128xf32>
    %get3A_125 = vector.shape_cast %get3A_124 : vector<1x784x128xf32> to vector<784x128xf32>
    %dot_general3A_126 = arith.constant dense<0.000000e+00> : vector<96x128xf32>
    %dot_general3A_127 = tpu.matmul %get3A_120, %get3A_125, %dot_general3A_126 {dimension_numbers = #tpu.dot_dimension_numbers<[1], [0], [0], [1], [0, 0, 1, 1], [], []>, transpose_lhs_hint = false} : vector<96x784xf32>, vector<784x128xf32>, vector<96x128xf32> -> vector<96x128xf32>
    %swap3A_128 = arith.constant 5 : index
    %swap3A_129 = arith.constant 0 : index
    %swap3A_130 = arith.constant 0 : index
    %swap3A_131 = vector.load %arg4[%swap3A_128, %swap3A_129, %swap3A_130] : memref<16x96x128xf32, #tpu.memory_space<vmem>>, vector<1x96x128xf32>
    %swap3A_132 = vector.shape_cast %swap3A_131 : vector<1x96x128xf32> to vector<96x128xf32>
    %swap3A_133 = vector.shape_cast %dot_general3A_127 : vector<96x128xf32> to vector<1x96x128xf32>
    tpu.vector_store %arg4[%swap3A_128, %swap3A_129, %swap3A_130], %swap3A_133 {strides = array<i32>} : memref<16x96x128xf32, #tpu.memory_space<vmem>>, vector<1x96x128xf32>,
    %get3A_134 = arith.constant 6 : index
    %get3A_135 = arith.constant 0 : index
    %get3A_136 = arith.constant 0 : index
    %get3A_137 = vector.load %arg3[%get3A_134, %get3A_135, %get3A_136] : memref<16x96x784xf32, #tpu.memory_space<vmem>>, vector<1x96x784xf32>
    %get3A_138 = vector.shape_cast %get3A_137 : vector<1x96x784xf32> to vector<96x784xf32>
    %get3A_139 = arith.constant 6 : index
    %get3A_140 = arith.constant 0 : index
    %get3A_141 = arith.constant 0 : index
    %get3A_142 = vector.load %arg0[%get3A_139, %get3A_140, %get3A_141] : memref<16x784x128xf32, #tpu.memory_space<vmem>>, vector<1x784x128xf32>
    %get3A_143 = vector.shape_cast %get3A_142 : vector<1x784x128xf32> to vector<784x128xf32>
    %dot_general3A_144 = arith.constant dense<0.000000e+00> : vector<96x128xf32>
    %dot_general3A_145 = tpu.matmul %get3A_138, %get3A_143, %dot_general3A_144 {dimension_numbers = #tpu.dot_dimension_numbers<[1], [0], [0], [1], [0, 0, 1, 1], [], []>, transpose_lhs_hint = false} : vector<96x784xf32>, vector<784x128xf32>, vector<96x128xf32> -> vector<96x128xf32>
    %swap3A_146 = arith.constant 6 : index
    %swap3A_147 = arith.constant 0 : index
    %swap3A_148 = arith.constant 0 : index
    %swap3A_149 = vector.load %arg4[%swap3A_146, %swap3A_147, %swap3A_148] : memref<16x96x128xf32, #tpu.memory_space<vmem>>, vector<1x96x128xf32>
    %swap3A_150 = vector.shape_cast %swap3A_149 : vector<1x96x128xf32> to vector<96x128xf32>
    %swap3A_151 = vector.shape_cast %dot_general3A_145 : vector<96x128xf32> to vector<1x96x128xf32>
    tpu.vector_store %arg4[%swap3A_146, %swap3A_147, %swap3A_148], %swap3A_151 {strides = array<i32>} : memref<16x96x128xf32, #tpu.memory_space<vmem>>, vector<1x96x128xf32>,
    %get3A_152 = arith.constant 7 : index
    %get3A_153 = arith.constant 0 : index
    %get3A_154 = arith.constant 0 : index
    %get3A_155 = vector.load %arg3[%get3A_152, %get3A_153, %get3A_154] : memref<16x96x784xf32, #tpu.memory_space<vmem>>, vector<1x96x784xf32>
    %get3A_156 = vector.shape_cast %get3A_155 : vector<1x96x784xf32> to vector<96x784xf32>
    %get3A_157 = arith.constant 7 : index
    %get3A_158 = arith.constant 0 : index
    %get3A_159 = arith.constant 0 : index
    %get3A_160 = vector.load %arg0[%get3A_157, %get3A_158, %get3A_159] : memref<16x784x128xf32, #tpu.memory_space<vmem>>, vector<1x784x128xf32>
    %get3A_161 = vector.shape_cast %get3A_160 : vector<1x784x128xf32> to vector<784x128xf32>
    %dot_general3A_162 = arith.constant dense<0.000000e+00> : vector<96x128xf32>
    %dot_general3A_163 = tpu.matmul %get3A_156, %get3A_161, %dot_general3A_162 {dimension_numbers = #tpu.dot_dimension_numbers<[1], [0], [0], [1], [0, 0, 1, 1], [], []>, transpose_lhs_hint = false} : vector<96x784xf32>, vector<784x128xf32>, vector<96x128xf32> -> vector<96x128xf32>
    %swap3A_164 = arith.constant 7 : index
    %swap3A_165 = arith.constant 0 : index
    %swap3A_166 = arith.constant 0 : index
    %swap3A_167 = vector.load %arg4[%swap3A_164, %swap3A_165, %swap3A_166] : memref<16x96x128xf32, #tpu.memory_space<vmem>>, vector<1x96x128xf32>
    %swap3A_168 = vector.shape_cast %swap3A_167 : vector<1x96x128xf32> to vector<96x128xf32>
    %swap3A_169 = vector.shape_cast %dot_general3A_163 : vector<96x128xf32> to vector<1x96x128xf32>
    tpu.vector_store %arg4[%swap3A_164, %swap3A_165, %swap3A_166], %swap3A_169 {strides = array<i32>} : memref<16x96x128xf32, #tpu.memory_space<vmem>>, vector<1x96x128xf32>,
    %get3A_170 = arith.constant 8 : index
    %get3A_171 = arith.constant 0 : index
    %get3A_172 = arith.constant 0 : index
    %get3A_173 = vector.load %arg3[%get3A_170, %get3A_171, %get3A_172] : memref<16x96x784xf32, #tpu.memory_space<vmem>>, vector<1x96x784xf32>
    %get3A_174 = vector.shape_cast %get3A_173 : vector<1x96x784xf32> to vector<96x784xf32>
    %get3A_175 = arith.constant 8 : index
    %get3A_176 = arith.constant 0 : index
    %get3A_177 = arith.constant 0 : index
    %get3A_178 = vector.load %arg0[%get3A_175, %get3A_176, %get3A_177] : memref<16x784x128xf32, #tpu.memory_space<vmem>>, vector<1x784x128xf32>
    %get3A_179 = vector.shape_cast %get3A_178 : vector<1x784x128xf32> to vector<784x128xf32>
    %dot_general3A_180 = arith.constant dense<0.000000e+00> : vector<96x128xf32>
    %dot_general3A_181 = tpu.matmul %get3A_174, %get3A_179, %dot_general3A_180 {dimension_numbers = #tpu.dot_dimension_numbers<[1], [0], [0], [1], [0, 0, 1, 1], [], []>, transpose_lhs_hint = false} : vector<96x784xf32>, vector<784x128xf32>, vector<96x128xf32> -> vector<96x128xf32>
    %swap3A_182 = arith.constant 8 : index
    %swap3A_183 = arith.constant 0 : index
    %swap3A_184 = arith.constant 0 : index
    %swap3A_185 = vector.load %arg4[%swap3A_182, %swap3A_183, %swap3A_184] : memref<16x96x128xf32, #tpu.memory_space<vmem>>, vector<1x96x128xf32>
    %swap3A_186 = vector.shape_cast %swap3A_185 : vector<1x96x128xf32> to vector<96x128xf32>
    %swap3A_187 = vector.shape_cast %dot_general3A_181 : vector<96x128xf32> to vector<1x96x128xf32>
    tpu.vector_store %arg4[%swap3A_182, %swap3A_183, %swap3A_184], %swap3A_187 {strides = array<i32>} : memref<16x96x128xf32, #tpu.memory_space<vmem>>, vector<1x96x128xf32>,
    %get3A_188 = arith.constant 9 : index
    %get3A_189 = arith.constant 0 : index
    %get3A_190 = arith.constant 0 : index
    %get3A_191 = vector.load %arg3[%get3A_188, %get3A_189, %get3A_190] : memref<16x96x784xf32, #tpu.memory_space<vmem>>, vector<1x96x784xf32>
    %get3A_192 = vector.shape_cast %get3A_191 : vector<1x96x784xf32> to vector<96x784xf32>
    %get3A_193 = arith.constant 9 : index
    %get3A_194 = arith.constant 0 : index
    %get3A_195 = arith.constant 0 : index
    %get3A_196 = vector.load %arg0[%get3A_193, %get3A_194, %get3A_195] : memref<16x784x128xf32, #tpu.memory_space<vmem>>, vector<1x784x128xf32>
    %get3A_197 = vector.shape_cast %get3A_196 : vector<1x784x128xf32> to vector<784x128xf32>
    %dot_general3A_198 = arith.constant dense<0.000000e+00> : vector<96x128xf32>
    %dot_general3A_199 = tpu.matmul %get3A_192, %get3A_197, %dot_general3A_198 {dimension_numbers = #tpu.dot_dimension_numbers<[1], [0], [0], [1], [0, 0, 1, 1], [], []>, transpose_lhs_hint = false} : vector<96x784xf32>, vector<784x128xf32>, vector<96x128xf32> -> vector<96x128xf32>
    %swap3A_200 = arith.constant 9 : index
    %swap3A_201 = arith.constant 0 : index
    %swap3A_202 = arith.constant 0 : index
    %swap3A_203 = vector.load %arg4[%swap3A_200, %swap3A_201, %swap3A_202] : memref<16x96x128xf32, #tpu.memory_space<vmem>>, vector<1x96x128xf32>
    %swap3A_204 = vector.shape_cast %swap3A_203 : vector<1x96x128xf32> to vector<96x128xf32>
    %swap3A_205 = vector.shape_cast %dot_general3A_199 : vector<96x128xf32> to vector<1x96x128xf32>
    tpu.vector_store %arg4[%swap3A_200, %swap3A_201, %swap3A_202], %swap3A_205 {strides = array<i32>} : memref<16x96x128xf32, #tpu.memory_space<vmem>>, vector<1x96x128xf32>,
    %get3A_206 = arith.constant 10 : index
    %get3A_207 = arith.constant 0 : index
    %get3A_208 = arith.constant 0 : index
    %get3A_209 = vector.load %arg3[%get3A_206, %get3A_207, %get3A_208] : memref<16x96x784xf32, #tpu.memory_space<vmem>>, vector<1x96x784xf32>
    %get3A_210 = vector.shape_cast %get3A_209 : vector<1x96x784xf32> to vector<96x784xf32>
    %get3A_211 = arith.constant 10 : index
    %get3A_212 = arith.constant 0 : index
    %get3A_213 = arith.constant 0 : index
    %get3A_214 = vector.load %arg0[%get3A_211, %get3A_212, %get3A_213] : memref<16x784x128xf32, #tpu.memory_space<vmem>>, vector<1x784x128xf32>
    %get3A_215 = vector.shape_cast %get3A_214 : vector<1x784x128xf32> to vector<784x128xf32>
    %dot_general3A_216 = arith.constant dense<0.000000e+00> : vector<96x128xf32>
    %dot_general3A_217 = tpu.matmul %get3A_210, %get3A_215, %dot_general3A_216 {dimension_numbers = #tpu.dot_dimension_numbers<[1], [0], [0], [1], [0, 0, 1, 1], [], []>, transpose_lhs_hint = false} : vector<96x784xf32>, vector<784x128xf32>, vector<96x128xf32> -> vector<96x128xf32>
    %swap3A_218 = arith.constant 10 : index
    %swap3A_219 = arith.constant 0 : index
    %swap3A_220 = arith.constant 0 : index
    %swap3A_221 = vector.load %arg4[%swap3A_218, %swap3A_219, %swap3A_220] : memref<16x96x128xf32, #tpu.memory_space<vmem>>, vector<1x96x128xf32>
    %swap3A_222 = vector.shape_cast %swap3A_221 : vector<1x96x128xf32> to vector<96x128xf32>
    %swap3A_223 = vector.shape_cast %dot_general3A_217 : vector<96x128xf32> to vector<1x96x128xf32>
    tpu.vector_store %arg4[%swap3A_218, %swap3A_219, %swap3A_220], %swap3A_223 {strides = array<i32>} : memref<16x96x128xf32, #tpu.memory_space<vmem>>, vector<1x96x128xf32>,
    %get3A_224 = arith.constant 11 : index
    %get3A_225 = arith.constant 0 : index
    %get3A_226 = arith.constant 0 : index
    %get3A_227 = vector.load %arg3[%get3A_224, %get3A_225, %get3A_226] : memref<16x96x784xf32, #tpu.memory_space<vmem>>, vector<1x96x784xf32>
    %get3A_228 = vector.shape_cast %get3A_227 : vector<1x96x784xf32> to vector<96x784xf32>
    %get3A_229 = arith.constant 11 : index
    %get3A_230 = arith.constant 0 : index
    %get3A_231 = arith.constant 0 : index
    %get3A_232 = vector.load %arg0[%get3A_229, %get3A_230, %get3A_231] : memref<16x784x128xf32, #tpu.memory_space<vmem>>, vector<1x784x128xf32>
    %get3A_233 = vector.shape_cast %get3A_232 : vector<1x784x128xf32> to vector<784x128xf32>
    %dot_general3A_234 = arith.constant dense<0.000000e+00> : vector<96x128xf32>
    %dot_general3A_235 = tpu.matmul %get3A_228, %get3A_233, %dot_general3A_234 {dimension_numbers = #tpu.dot_dimension_numbers<[1], [0], [0], [1], [0, 0, 1, 1], [], []>, transpose_lhs_hint = false} : vector<96x784xf32>, vector<784x128xf32>, vector<96x128xf32> -> vector<96x128xf32>
    %swap3A_236 = arith.constant 11 : index
    %swap3A_237 = arith.constant 0 : index
    %swap3A_238 = arith.constant 0 : index
    %swap3A_239 = vector.load %arg4[%swap3A_236, %swap3A_237, %swap3A_238] : memref<16x96x128xf32, #tpu.memory_space<vmem>>, vector<1x96x128xf32>
    %swap3A_240 = vector.shape_cast %swap3A_239 : vector<1x96x128xf32> to vector<96x128xf32>
    %swap3A_241 = vector.shape_cast %dot_general3A_235 : vector<96x128xf32> to vector<1x96x128xf32>
    tpu.vector_store %arg4[%swap3A_236, %swap3A_237, %swap3A_238], %swap3A_241 {strides = array<i32>} : memref<16x96x128xf32, #tpu.memory_space<vmem>>, vector<1x96x128xf32>,
    %get3A_242 = arith.constant 12 : index
    %get3A_243 = arith.constant 0 : index
    %get3A_244 = arith.constant 0 : index
    %get3A_245 = vector.load %arg3[%get3A_242, %get3A_243, %get3A_244] : memref<16x96x784xf32, #tpu.memory_space<vmem>>, vector<1x96x784xf32>
    %get3A_246 = vector.shape_cast %get3A_245 : vector<1x96x784xf32> to vector<96x784xf32>
    %get3A_247 = arith.constant 12 : index
    %get3A_248 = arith.constant 0 : index
    %get3A_249 = arith.constant 0 : index
    %get3A_250 = vector.load %arg0[%get3A_247, %get3A_248, %get3A_249] : memref<16x784x128xf32, #tpu.memory_space<vmem>>, vector<1x784x128xf32>
    %get3A_251 = vector.shape_cast %get3A_250 : vector<1x784x128xf32> to vector<784x128xf32>
    %dot_general3A_252 = arith.constant dense<0.000000e+00> : vector<96x128xf32>
    %dot_general3A_253 = tpu.matmul %get3A_246, %get3A_251, %dot_general3A_252 {dimension_numbers = #tpu.dot_dimension_numbers<[1], [0], [0], [1], [0, 0, 1, 1], [], []>, transpose_lhs_hint = false} : vector<96x784xf32>, vector<784x128xf32>, vector<96x128xf32> -> vector<96x128xf32>
    %swap3A_254 = arith.constant 12 : index
    %swap3A_255 = arith.constant 0 : index
    %swap3A_256 = arith.constant 0 : index
    %swap3A_257 = vector.load %arg4[%swap3A_254, %swap3A_255, %swap3A_256] : memref<16x96x128xf32, #tpu.memory_space<vmem>>, vector<1x96x128xf32>
    %swap3A_258 = vector.shape_cast %swap3A_257 : vector<1x96x128xf32> to vector<96x128xf32>
    %swap3A_259 = vector.shape_cast %dot_general3A_253 : vector<96x128xf32> to vector<1x96x128xf32>
    tpu.vector_store %arg4[%swap3A_254, %swap3A_255, %swap3A_256], %swap3A_259 {strides = array<i32>} : memref<16x96x128xf32, #tpu.memory_space<vmem>>, vector<1x96x128xf32>,
    %get3A_260 = arith.constant 13 : index
    %get3A_261 = arith.constant 0 : index
    %get3A_262 = arith.constant 0 : index
    %get3A_263 = vector.load %arg3[%get3A_260, %get3A_261, %get3A_262] : memref<16x96x784xf32, #tpu.memory_space<vmem>>, vector<1x96x784xf32>
    %get3A_264 = vector.shape_cast %get3A_263 : vector<1x96x784xf32> to vector<96x784xf32>
    %get3A_265 = arith.constant 13 : index
    %get3A_266 = arith.constant 0 : index
    %get3A_267 = arith.constant 0 : index
    %get3A_268 = vector.load %arg0[%get3A_265, %get3A_266, %get3A_267] : memref<16x784x128xf32, #tpu.memory_space<vmem>>, vector<1x784x128xf32>
    %get3A_269 = vector.shape_cast %get3A_268 : vector<1x784x128xf32> to vector<784x128xf32>
    %dot_general3A_270 = arith.constant dense<0.000000e+00> : vector<96x128xf32>
    %dot_general3A_271 = tpu.matmul %get3A_264, %get3A_269, %dot_general3A_270 {dimension_numbers = #tpu.dot_dimension_numbers<[1], [0], [0], [1], [0, 0, 1, 1], [], []>, transpose_lhs_hint = false} : vector<96x784xf32>, vector<784x128xf32>, vector<96x128xf32> -> vector<96x128xf32>
    %swap3A_272 = arith.constant 13 : index
    %swap3A_273 = arith.constant 0 : index
    %swap3A_274 = arith.constant 0 : index
    %swap3A_275 = vector.load %arg4[%swap3A_272, %swap3A_273, %swap3A_274] : memref<16x96x128xf32, #tpu.memory_space<vmem>>, vector<1x96x128xf32>
    %swap3A_276 = vector.shape_cast %swap3A_275 : vector<1x96x128xf32> to vector<96x128xf32>
    %swap3A_277 = vector.shape_cast %dot_general3A_271 : vector<96x128xf32> to vector<1x96x128xf32>
    tpu.vector_store %arg4[%swap3A_272, %swap3A_273, %swap3A_274], %swap3A_277 {strides = array<i32>} : memref<16x96x128xf32, #tpu.memory_space<vmem>>, vector<1x96x128xf32>,
    %get3A_278 = arith.constant 14 : index
    %get3A_279 = arith.constant 0 : index
    %get3A_280 = arith.constant 0 : index
    %get3A_281 = vector.load %arg3[%get3A_278, %get3A_279, %get3A_280] : memref<16x96x784xf32, #tpu.memory_space<vmem>>, vector<1x96x784xf32>
    %get3A_282 = vector.shape_cast %get3A_281 : vector<1x96x784xf32> to vector<96x784xf32>
    %get3A_283 = arith.constant 14 : index
    %get3A_284 = arith.constant 0 : index
    %get3A_285 = arith.constant 0 : index
    %get3A_286 = vector.load %arg0[%get3A_283, %get3A_284, %get3A_285] : memref<16x784x128xf32, #tpu.memory_space<vmem>>, vector<1x784x128xf32>
    %get3A_287 = vector.shape_cast %get3A_286 : vector<1x784x128xf32> to vector<784x128xf32>
    %dot_general3A_288 = arith.constant dense<0.000000e+00> : vector<96x128xf32>
    %dot_general3A_289 = tpu.matmul %get3A_282, %get3A_287, %dot_general3A_288 {dimension_numbers = #tpu.dot_dimension_numbers<[1], [0], [0], [1], [0, 0, 1, 1], [], []>, transpose_lhs_hint = false} : vector<96x784xf32>, vector<784x128xf32>, vector<96x128xf32> -> vector<96x128xf32>
    %swap3A_290 = arith.constant 14 : index
    %swap3A_291 = arith.constant 0 : index
    %swap3A_292 = arith.constant 0 : index
    %swap3A_293 = vector.load %arg4[%swap3A_290, %swap3A_291, %swap3A_292] : memref<16x96x128xf32, #tpu.memory_space<vmem>>, vector<1x96x128xf32>
    %swap3A_294 = vector.shape_cast %swap3A_293 : vector<1x96x128xf32> to vector<96x128xf32>
    %swap3A_295 = vector.shape_cast %dot_general3A_289 : vector<96x128xf32> to vector<1x96x128xf32>
    tpu.vector_store %arg4[%swap3A_290, %swap3A_291, %swap3A_292], %swap3A_295 {strides = array<i32>} : memref<16x96x128xf32, #tpu.memory_space<vmem>>, vector<1x96x128xf32>,
    %get3A_296 = arith.constant 15 : index
    %get3A_297 = arith.constant 0 : index
    %get3A_298 = arith.constant 0 : index
    %get3A_299 = vector.load %arg3[%get3A_296, %get3A_297, %get3A_298] : memref<16x96x784xf32, #tpu.memory_space<vmem>>, vector<1x96x784xf32>
    %get3A_300 = vector.shape_cast %get3A_299 : vector<1x96x784xf32> to vector<96x784xf32>
    %get3A_301 = arith.constant 15 : index
    %get3A_302 = arith.constant 0 : index
    %get3A_303 = arith.constant 0 : index
    %get3A_304 = vector.load %arg0[%get3A_301, %get3A_302, %get3A_303] : memref<16x784x128xf32, #tpu.memory_space<vmem>>, vector<1x784x128xf32>
    %get3A_305 = vector.shape_cast %get3A_304 : vector<1x784x128xf32> to vector<784x128xf32>
    %dot_general3A_306 = arith.constant dense<0.000000e+00> : vector<96x128xf32>
    %dot_general3A_307 = tpu.matmul %get3A_300, %get3A_305, %dot_general3A_306 {dimension_numbers = #tpu.dot_dimension_numbers<[1], [0], [0], [1], [0, 0, 1, 1], [], []>, transpose_lhs_hint = false} : vector<96x784xf32>, vector<784x128xf32>, vector<96x128xf32> -> vector<96x128xf32>
    %swap3A_308 = arith.constant 15 : index
    %swap3A_309 = arith.constant 0 : index
    %swap3A_310 = arith.constant 0 : index
    %swap3A_311 = vector.load %arg4[%swap3A_308, %swap3A_309, %swap3A_310] : memref<16x96x128xf32, #tpu.memory_space<vmem>>, vector<1x96x128xf32>
    %swap3A_312 = vector.shape_cast %swap3A_311 : vector<1x96x128xf32> to vector<96x128xf32>
    %swap3A_313 = vector.shape_cast %dot_general3A_307 : vector<96x128xf32> to vector<1x96x128xf32>
    tpu.vector_store %arg4[%swap3A_308, %swap3A_309, %swap3A_310], %swap3A_313 {strides = array<i32>} : memref<16x96x128xf32, #tpu.memory_space<vmem>>, vector<1x96x128xf32>,
    %get3A_314 = arith.constant 0 : index
    %get3A_315 = arith.constant 0 : index
    %get3A_316 = arith.constant 0 : index
    %get3A_317 = vector.load %arg5[%get3A_314, %get3A_315, %get3A_316] : memref<16x96x128xi32, #tpu.memory_space<vmem>>, vector<16x96x128xi32>
    %scan3A_318 = arith.constant 0 : i32
    %scan3A_319 = arith.constant 128 : i32
    %scan3A_320 = arith.addi %scan3A_318, %scan3A_319 : i32
    %scan3A_321 = arith.constant 1 : i32
    scf.for %scan3A_323 = %scan3A_318 to %scan3A_320 step %scan3A_321  : i32 {
      %get3A_324 = arith.constant 0 : index
      %get3A_325 = arith.constant 0 : index
      %get3A_326 = arith.constant 0 : index
      %get3A_327 = vector.load %arg4[%get3A_324, %get3A_325, %get3A_326] : memref<16x96x128xf32, #tpu.memory_space<vmem>>, vector<16x96x128xf32>
      %reduce_max3A_328 = arith.constant dense<0xFF800000> : vector<16x96xf32>
      %reduce_max3A_329 = vector.multi_reduction <maximumf>, %get3A_327, %reduce_max3A_328 [2] : vector<16x96x128xf32> to vector<16x96xf32>
      %reduce_max3A_330 = arith.constant dense<0xFF800000> : vector<16xf32>
      %reduce_max3A_331 = vector.multi_reduction <maximumf>, %reduce_max3A_329, %reduce_max3A_330 [1] : vector<16x96xf32> to vector<16xf32>
      %broadcast_in_dim3A_332 = vector.shape_cast %reduce_max3A_331 : vector<16xf32> to vector<16x1x1xf32>
      %eq3A_333 = vector.broadcast %broadcast_in_dim3A_332 : vector<16x1x1xf32> to vector<16x96x128xf32>
      %eq3A_334 = arith.cmpf oeq, %get3A_327, %eq3A_333 : vector<16x96x128xf32>
      %jit3A = arith.constant 1073741824 : i32
      %broadcast_in_dim3A_335 = vector.broadcast %jit3A : i32 to vector<16x96x128xi32>
      %select_n3A = arith.select %eq3A_334, %get3A_317, %broadcast_in_dim3A_335 : vector<16x96x128xi1>, vector<16x96x128xi32>
      %reduce_min3A = arith.constant dense<2147483647> : vector<16x96xi32>
      %reduce_min3A_336 = vector.multi_reduction <minsi>, %select_n3A, %reduce_min3A [2] : vector<16x96x128xi32> to vector<16x96xi32>
      %reduce_min3A_337 = arith.constant dense<2147483647> : vector<16xi32>
      %reduce_min3A_338 = vector.multi_reduction <minsi>, %reduce_min3A_336, %reduce_min3A_337 [1] : vector<16x96xi32> to vector<16xi32>
      %broadcast_in_dim3A_339 = vector.shape_cast %reduce_min3A_338 : vector<16xi32> to vector<1x16xi32>
      %swap3A_340 = arith.index_cast %scan3A_323 : i32 to index
      %swap3A_341 = arith.constant 0 : index
      %swap3A_342 = vector.load %arg1[%swap3A_340, %swap3A_341] : memref<128x16xi32, #tpu.memory_space<vmem>>, vector<1x16xi32>
      tpu.vector_store %arg1[%swap3A_340, %swap3A_341], %broadcast_in_dim3A_339 {strides = array<i32>} : memref<128x16xi32, #tpu.memory_space<vmem>>, vector<1x16xi32>,
      %broadcast_in_dim3A_343 = vector.shape_cast %reduce_min3A_338 : vector<16xi32> to vector<16x1x1xi32>
      %eq3A_344 = vector.broadcast %broadcast_in_dim3A_343 : vector<16x1x1xi32> to vector<16x96x128xi32>
      %eq3A_345 = arith.cmpi eq, %get3A_317, %eq3A_344 : vector<16x96x128xi32>
      %jit3A_346 = arith.constant -1.000000e+30 : f32
      %broadcast_in_dim3A_347 = vector.broadcast %jit3A_346 : f32 to vector<16x96x128xf32>
      %select_n3A_348 = arith.select %eq3A_345, %broadcast_in_dim3A_347, %get3A_327 : vector<16x96x128xi1>, vector<16x96x128xf32>
      %swap3A_349 = arith.constant 0 : index
      %swap3A_350 = arith.constant 0 : index
      %swap3A_351 = arith.constant 0 : index
      %swap3A_352 = vector.load %arg4[%swap3A_349, %swap3A_350, %swap3A_351] : memref<16x96x128xf32, #tpu.memory_space<vmem>>, vector<16x96x128xf32>
      tpu.vector_store %arg4[%swap3A_349, %swap3A_350, %swap3A_351], %select_n3A_348 {strides = array<i32>} : memref<16x96x128xf32, #tpu.memory_space<vmem>>, vector<16x96x128xf32>,
    }
    %scan3A_322 = arith.constant 128 : i32
    return
  }
}

module attributes {stable_mosaic.version = 14 : i64} {
  func.func @_rank_body(%arg0: memref<16x128xf32, #tpu.memory_space<vmem>>, %arg1: memref<16x128xi32, #tpu.memory_space<vmem>>, %arg2: memref<64x16xi32, #tpu.memory_space<vmem>>) attributes {dimension_semantics = [], scalar_prefetch = 0 : i64, scratch_operands = 0 : i64, tpu.core_type = #tpu.core_type<tc>} {
    %get3A = arith.constant 0 : index
    %get3A_0 = arith.constant 0 : index
    %get3A_1 = vector.load %arg1[%get3A, %get3A_0] : memref<16x128xi32, #tpu.memory_space<vmem>>, vector<16x128xi32>
    %get3A_2 = arith.constant 0 : index
    %get3A_3 = arith.constant 0 : index
    %get3A_4 = vector.load %arg0[%get3A_2, %get3A_3] : memref<16x128xf32, #tpu.memory_space<vmem>>, vector<16x128xf32>
    %scan3A = arith.constant 0 : i32
    %scan3A_5 = arith.constant 64 : i32
    %scan3A_6 = arith.addi %scan3A, %scan3A_5 : i32
    %scan3A_7 = arith.constant 1 : i32
    %scan3A_8 = scf.for %scan3A_10 = %scan3A to %scan3A_6 step %scan3A_7 iter_args(%scan3A_11 = %get3A_4) -> (vector<16x128xf32>)  : i32 {
      %reduce_max3A = arith.constant dense<0xFF800000> : vector<16xf32>
      %reduce_max3A_12 = vector.multi_reduction <maximumf>, %scan3A_11, %reduce_max3A [1] : vector<16x128xf32> to vector<16xf32>
      %broadcast_in_dim3A = vector.shape_cast %reduce_max3A_12 : vector<16xf32> to vector<16x1xf32>
      %eq3A = vector.broadcast %broadcast_in_dim3A : vector<16x1xf32> to vector<16x128xf32>
      %eq3A_13 = arith.cmpf oeq, %scan3A_11, %eq3A : vector<16x128xf32>
      %jit3A = arith.constant 1073741824 : i32
      %broadcast_in_dim3A_14 = vector.broadcast %jit3A : i32 to vector<16x128xi32>
      %select_n3A = arith.select %eq3A_13, %get3A_1, %broadcast_in_dim3A_14 : vector<16x128xi1>, vector<16x128xi32>
      %reduce_min3A = arith.constant dense<2147483647> : vector<16xi32>
      %reduce_min3A_15 = vector.multi_reduction <minsi>, %select_n3A, %reduce_min3A [1] : vector<16x128xi32> to vector<16xi32>
      %broadcast_in_dim3A_16 = vector.shape_cast %reduce_min3A_15 : vector<16xi32> to vector<1x16xi32>
      %swap3A = arith.index_cast %scan3A_10 : i32 to index
      %swap3A_17 = arith.constant 0 : index
      %swap3A_18 = vector.load %arg2[%swap3A, %swap3A_17] : memref<64x16xi32, #tpu.memory_space<vmem>>, vector<1x16xi32>
      tpu.vector_store %arg2[%swap3A, %swap3A_17], %broadcast_in_dim3A_16 {strides = array<i32>} : memref<64x16xi32, #tpu.memory_space<vmem>>, vector<1x16xi32>,
      %broadcast_in_dim3A_19 = vector.shape_cast %reduce_min3A_15 : vector<16xi32> to vector<16x1xi32>
      %eq3A_20 = vector.broadcast %broadcast_in_dim3A_19 : vector<16x1xi32> to vector<16x128xi32>
      %eq3A_21 = arith.cmpi eq, %get3A_1, %eq3A_20 : vector<16x128xi32>
      %jit3A_22 = arith.constant -1.000000e+30 : f32
      %broadcast_in_dim3A_23 = vector.broadcast %jit3A_22 : f32 to vector<16x128xf32>
      %select_n3A_24 = arith.select %eq3A_21, %broadcast_in_dim3A_23, %scan3A_11 : vector<16x128xi1>, vector<16x128xf32>
      scf.yield %select_n3A_24 : vector<16x128xf32>
    }
    %scan3A_9 = arith.constant 64 : i32
    return
  }
}

</mosaic_0001>

<sc_bundles>
// kernel: gather_offload_async_start
scs
__scs_entry_jumppad:
0x0: {  	(pc) =	sbr.rel $0x88, $3  }
0x1: {  	(tag) =	ssettag $0x0;
	lr =	simm.s32 $0x1  }
0x2: {  	[smem:$0x3F9D] =	sst lr;
	_ =	strace $0xD0000000  }
0x3: {  	_ = 	snop  }
0x4: {  	_ = 	snop  }
0x5: {  	_ = 	snop  }
0x6: {  	_ = 	snop  }
0x7: {  	_ = 	snop  }
__scs_overlays_trampoline_lowered:
0x8: {  	[smem:$0x3FAC] =	sst s0  }
0x9: {  	[smem:$0x3FAD] =	sst s1  }
0xa: {  	[smem:$0x3FAE] =	sst s2  }
0xb: {  	[smem:$0x3FAF] =	sst s3  }
0xc: {  	[smem:$0x3FB0] =	sst s4  }
0xd: {  	[smem:$0x3FB1] =	sst s5  }
0xe: {  	[smem:$0x3FB2] =	sst s6  }
0xf: {  	[smem:$0x3FB3] =	sst s7  }
0x10: {  	[smem:$0x3FB4] =	sst s8  }
0x11: {  	[smem:$0x3FB5] =	sst s9;
	s0 =	simm.s32 @!p0 $0x0  }
0x12: {  	s1 =	sld [smem:$0x3F9B];
	s0 =	simm.s32 @p0 $0x1  }
0x13: {  	[smem:$0x3FB6] =	sst s0;
	s0 =	simm.s32 @!p1 $0x0  }
0x14: {  	s2 =	sld [smem:$0x3F9A];
	s0 =	simm.s32 @p1 $0x1  }
0x15: {  	[smem:$0x3FB7] =	sst s0;
	s0 =	simm.s32 @!p2 $0x0  }
0x16: {  	s3 =	sld [smem:$0x3FDB];
	s0 =	simm.s32 @p2 $0x1  }
0x17: {  	s4 =	simm.s32 $0x1BF5;
	[smem:$0x3FB9] =	sst s0  }
0x18: {  	s0 =	sld [smem:$0x3F9C];
	_ =	swait.ge [sflag:s4], $0x0  }
0x19: {  	s7 =	sld [smem:$0x3F9D]  }
0x1a: {  	s8 =	sadd.s32 $0xFFFFE003, lr  }
0x1b: {  	s9 =	sadd.s32 $0xFFFFFEF7, lr;
	s5 =	simm.s32 $0xFFFFFFFF;
	p2 =	slt.u32 s8, $0xFFFFF086  }
0x1c: {  	p1 =	slt.u32 s9, $0xF7A;
	s5 =	simm.s32 @!p2 $0x0  }
0x1d: {  	s5 =	simm.s32 @p1 $0x1;
	p0 =	seq.s32 s7, s2  }
0x1e: {  	s7 =	smul.u32 @!p0 $0xF7A, s2;
	p2 =	seq.s32 @!p0 s5, $0x0  }
0x1f: {  	s9 =	smul.u32 $0xF7A, s1;
	s8 =	simm.s32 @!p0 $0x1BF5;
	p2 =	por !p2, p0  }
0x20: {  	[sflag:s8] =	ssyncset.s32 @!p0 $0xFFFFF086;
	s6 =	sadd.s32 @!p0 s3, s7;
	s7 =	simm.s32 @!p0 $0x108  }
0x21: {  	s3 =	sadd.s32 s3, s9;
	s6 =	sadd.s32 @!p0 $0x88, s6;
	s7 =	simm.s32 @p2 $0x1082  }
0x22: {  	[simem:s7], [sflag:s8] =	dma.local @!p0 [hbm:s6], $0xF7A  }
0x23: {  	s9 =	sor.u32 $0xD0000000, s2;
	s6 =	simm.s32 $0x108;
	_ =	swait.ge @!p0 [sflag:s8], $0x0  }
0x24: {  	s3 =	sadd.s32 $0x88, s3;
	s6 =	simm.s32 @!p1 $0x1082;
	[sflag:s4] =	ssyncset.s32 $0xFFFFF086  }
0x25: {  	[simem:s6], [sflag:s4] =	dma.local [hbm:s3], $0xF7A  }
0x26: {  	[smem:$0x3F9D] =	sst s1;
	(tag) =	ssettag s2;
	_ =	strace s9  }
0x27: {  	s1 =	sld [smem:$0x3FAD]  }
0x28: {  	s2 =	sld [smem:$0x3FAE]  }
0x29: {  	s4 =	sld [smem:$0x3FB0]  }
0x2a: {  	p0 =	seq.s32 s5, $0x0;
	s5 =	sld [smem:$0x3FB1]  }
0x2b: {  	s6 =	sld [smem:$0x3FB2]  }
0x2c: {  	s7 =	sld [smem:$0x3FB3]  }
0x2d: {  	s3 =	simm.s32 $0x108;
	s8 =	sld [smem:$0x3FB4]  }
0x2e: {  	s3 =	simm.s32 @!p0 $0x1082;
	s9 =	sld [smem:$0x3FB5]  }
0x2f: {  	lr =	sadd.s32 s0, s3;
	s0 =	sld [smem:$0x3FAC]  }
0x30: {  	s3 =	sld [smem:$0x3FAF]  }
0x31: {  	[smem:$0x3FB8] =	sst s10  }
0x32: {  	s10 =	sld [smem:$0x3FB6];
	_ =	sdelay $0x3  }
0x33: {  	p0 =	seq.s32 s10, $0x1;
	s10 =	sld [smem:$0x3FB8];
	_ =	sdelay $0x3  }
0x34: {  	[smem:$0x3FB8] =	sst s10  }
0x35: {  	s10 =	sld [smem:$0x3FB7];
	_ =	sdelay $0x3  }
0x36: {  	p1 =	seq.s32 s10, $0x1;
	s10 =	sld [smem:$0x3FB8];
	_ =	sdelay $0x3  }
0x37: {  	[smem:$0x3FB8] =	sst s10  }
0x38: {  	s10 =	sld [smem:$0x3FB9]  }
0x39: {  	_ = 	snop;
	(pc) =	sbr.ind lr, $3  }
0x3a: {  	_ = 	snop  }
0x3b: {  	_ = 	snop  }
0x3c: {  	p2 =	seq.s32 s10, $0x1;
	s10 =	sld [smem:$0x3FB8]  }
0x3d: {  	_ =	shalt  }
0x3e: {  	_ =	shalt  }
0x3f: {  	_ =	shalt  }
0x40: {  	_ =	shalt  }
0x41: {  	_ =	shalt  }
0x42: {  	_ =	shalt  }
0x43: {  	_ =	shalt  }
0x44: {  	_ =	shalt  }
0x45: {  	_ =	shalt  }
0x46: {  	_ =	shalt  }
0x47: {  	_ =	shalt  }
0x48: {  	_ =	shalt  }
0x49: {  	_ =	shalt  }
0x4a: {  	_ =	shalt  }
0x4b: {  	_ =	shalt  }
0x4c: {  	_ =	shalt  }
0x4d: {  	_ =	shalt  }
0x4e: {  	_ =	shalt  }
0x4f: {  	_ =	shalt  }
0x50: {  	_ =	shalt  }
0x51: {  	_ =	shalt  }
0x52: {  	_ =	shalt  }
0x53: {  	_ =	shalt  }
0x54: {  	_ =	shalt  }
0x55: {  	_ =	shalt  }
0x56: {  	_ =	shalt  }
0x57: {  	_ =	shalt  }
0x58: {  	_ =	shalt  }
0x59: {  	_ =	shalt  }
0x5a: {  	_ =	shalt  }
0x5b: {  	_ =	shalt  }
0x5c: {  	_ =	shalt  }
0x5d: {  	_ =	shalt  }
0x5e: {  	_ =	shalt  }
0x5f: {  	_ =	shalt  }
0x60: {  	_ =	shalt  }
0x61: {  	_ =	shalt  }
0x62: {  	_ =	shalt  }
0x63: {  	_ =	shalt  }
0x64: {  	_ =	shalt  }
0x65: {  	_ =	shalt  }
0x66: {  	_ =	shalt  }
0x67: {  	_ =	shalt  }
0x68: {  	_ =	shalt  }
0x69: {  	_ =	shalt  }
0x6a: {  	_ =	shalt  }
0x6b: {  	_ =	shalt  }
0x6c: {  	_ =	shalt  }
0x6d: {  	_ =	shalt  }
0x6e: {  	_ =	shalt  }
0x6f: {  	_ =	shalt  }
0x70: {  	_ =	shalt  }
0x71: {  	_ =	shalt  }
0x72: {  	_ =	shalt  }
0x73: {  	_ =	shalt  }
0x74: {  	_ =	shalt  }
0x75: {  	_ =	shalt  }
0x76: {  	_ =	shalt  }
0x77: {  	_ =	shalt  }
0x78: {  	_ =	shalt  }
0x79: {  	_ =	shalt  }
0x7a: {  	_ =	shalt  }
0x7b: {  	_ =	shalt  }
0x7c: {  	_ =	shalt  }
0x7d: {  	_ =	shalt  }
0x7e: {  	_ =	shalt  }
0x7f: {  	_ =	shalt  }
0x80: {  	_ =	shalt  }
0x81: {  	_ =	shalt  }
0x82: {  	_ =	shalt  }
0x83: {  	_ =	shalt  }
0x84: {  	_ =	shalt  }
0x85: {  	_ =	shalt  }
0x86: {  	_ =	shalt  }
0x87: {  	_ =	shalt  }
.Lfunc_end0:
.L_simem_size_0:
called_computation_lowered:
.L_overlay_start_0:
0x88: {  	s2 =	sld [smem:$0x3FD9]  }
0x89: {  	s3 =	sld [smem:$0x3FFE];
	_ =	sdelay $0x1  }
0x8a: {  	s1 =	srdreg.scid  }
0x8b: {  	s0 =	sand.u32 $0x1, s1  }
0x8c: {  	s14 =	sshll.u32 s0, $0xA;
	s2 =	sadd.s32 s3, s2  }
0x8d: {  	s2 =	sadd.s32 s2, s14  }
0x8e: {  	[smem:$0x3FC4] =	sst s2  }
0x8f: {  	_ = 	snop  }
0x90: {  	s2 =	sld [smem:$0x3FD0];
	_ =	sdelay $0x2  }
0x91: {  	s4 =	simm.s32 $0xA;
	s5 =	simm.s32 $0x10;
	s15 =	sld [smem:$0x3FC8]  }
0x92: {  	[smem:s5], [sflag:s4] =	dma.local [hbm:s2], $0x1  }
0x93: {  	_ =	swait.eq [sflag:s4], $0x1  }
0x94: {  	[sflag:s4] =	ssyncset.done $0x0  }
0x95: {  	[sflag:s4] =	ssyncadd.s32 $0xFFFFFFFF  }
0x96: {  	s16 =	sld [smem:$0x12];
	(tm) =	ssettm $0x1  }
0x97: {  	s17 =	sld [smem:$0x3FFB];
	_ =	sdelay $0x3  }
0x98: {  	_ =	strace s17  }
0x99: {  	s4 =	sld [smem:$0x3FFC];
	_ =	sdelay $0x3  }
0x9a: {  	_ =	strace s4  }
0x9b: {  	s4 =	sld [smem:$0x3FFD];
	_ =	sdelay $0x3  }
0x9c: {  	_ =	strace s4  }
0x9d: {  	_ =	strace $0x8FFFFFFF  }
0x9e: {  	s18 =	sld [smem:$0x3FDB];
	_ =	sdelay $0x1  }
0x9f: {  	s19 =	simm.s32 $_scs_section_size  }
0xa0: {  	s6 =	simm.s32 $_size__tile_overlayer_lowered;
	s7 =	simm.s32 $_tile_overlayer_lowered  }
0xa1: {  	s22 =	simm.s32 $0x1BFF;
	s21 =	sshll.u32 s7, $0x1;
	s4 =	sadd.s32 s19, s18  }
0xa2: {  	s8 =	simm.s32 $0x0;
	s20 =	sshll.u32 s6, $0x1;
	s6 =	sadd.s32 s21, s4  }
0xa3: {  	[timem:s8], [sflag:s22] =	dma.local [hbm:s6], s20  }
0xa4: {  	_ =	swait.ge [sflag:s22], s20  }
0xa5: {  	s5 =	ssub.s32 $0x0, s20;
	[sflag:s22] =	ssyncset.done $0x0  }
0xa6: {  	[sflag:s22] =	ssyncadd.s32 s5;
	_ =	sdelay $0x1  }
0xa7: {  	s23 =	simm.s32 $0x1B8B  }
0xa8: {  	_ =	swait.ge [sflag:s23], $0x1  }
0xa9: {  	[sflag:s23] =	ssyncset.done $0x0  }
0xaa: {  	s25 =	simm.s32 $0x1B8E;
	s24 =	sld [smem:$0x3FFE];
	[sflag:s23] =	ssyncadd.s32 $0xFFFFFFFF  }
0xab: {  	s26 =	simm.s32 $execute0_lowered;
	[smem:$0x3FD2] =	sst s25  }
0xac: {  	s6 =	sshll.u32 s26, $0x1;
	_ =	strace $0x80000046;
	[dreg:$0x1] =	wrdreg $0xFFFFFFFF  }
0xad: {  	s28 =	simm.s32 $_size_execute0_lowered;
	s4 =	sadd.s32 s4, s6;
	[dreg:$0x0] =	wrdreg $0x0  }
0xae: {  	s6 =	sshll.u32 s28, $0x1;
	[dreg:$0x2] =	wrdreg s4  }
0xaf: {  	[dreg:$0x3] =	wrdreg s6  }
0xb0: {  	[dreg:$0x4] =	wrdreg $0xC0  }
0xb1: {  	_ =	task [dreg:s8], $0x5FFFF  }
0xb2: {  	[dreg:$0x1] =	wrdreg $0xFFFFFFFF  }
0xb3: {  	[dreg:$0x0] =	wrdreg $0x60  }
0xb4: {  	[dreg:$0x2] =	wrdreg s15  }
0xb5: {  	[dreg:$0x3] =	wrdreg s16  }
0xb6: {  	[dreg:$0x4] =	wrdreg s24  }
0xb7: {  	[dreg:$0x5] =	wrdreg $0x9  }
0xb8: {  	_ =	task.clear_ibuf [dreg:s8], $0x6FFFF;
	_ =	strace $0x90000046  }
0xb9: {  	s29 =	simm.s32 $0x9;
	_ =	strace $0x80000048  }
0xba: {  	_ =	swait.ge [sflag:s29], $0x1  }
0xbb: {  	[sflag:s29] =	ssyncadd.s32 $0xFFFFFFFF  }
0xbc: {  	_ =	strace $0x90000048  }
0xbd: {  	_ =	sfence  }
0xbe: {  	s30 =	sld [smem:$0x0];
	_ =	sdelay $0x2  }
0xbf: {  	s31 =	sshll.u32 s1, $0xD;
	s1 =	sshrl.u32 s1, $0x2  }
0xc0: {  	s3 =	sand.u32 $0x4000, s31;
	s1 =	sadd.s32 s1, s30  }
0xc1: {  	s0 =	sor.u32 s3, s0;
	s1 =	sshll.u32 s1, $0x11  }
0xc2: {  	s0 =	sor.u32 s1, s0  }
0xc3: {  	s0 =	sadd.s32 $0x8F2B, s0  }
0xc4: {  	[sflag:s0] =	ssyncadd.remote.s32 $0x1  }
0xc5: {  	_ =	sfence.sel $0xFFFF  }
0xc6: {  	[dreg:$0x0] =	wrdreg $0xFFFFFFFF;
	(pc) =	sbr.abs _section_cstart, $3  }
0xc7: {  	[dreg:$0x1] =	wrdreg $0xFFFFFFFF  }
0xc8: {  	_ =	task.clear_ibuf [dreg:s8], $0x2FFFF;
	_ =	strace $0x9FFFFFFF  }
0xc9: {  	(tm) =	ssettm $0x7FFFFFFF  }
tec
execute0_lowered:
.L_overlay_start_1:
0x0: {  	(tag) =	ssettag $0x1  }
0x1: {  	s2 =	rddreg [dreg:$0x0]  }
0x2: {  	s3 =	rddreg [dreg:$0x1]  }
0x3: {  	s4 =	rddreg [dreg:$0x2]  }
0x4: {  	s0 =	rddreg [dreg:$0x3];
	s1 =	srdreg.scid  }
0x5: {  	_ =	strace $0x80000047;
	s5 =	simm.s32 $0x1;
	s6 =	sshll.u32 s1, $0x4  }
.Ltmp0:
0x6: {  	s1 =	stileid.u32;
	s6 =	sand.u32 $0x10, s6;
	(pc) =	sbr.rel .LBB2_1-.Ltmp0, $4  }
0x7: {  	s9 =	simm.s32 $0x3;
	s12 =	simm.s32 $0x0;
	s7 =	sor.u32 s1, s6  }
0x8: {  	[sflag:s5] =	ssyncpa.u1 $0x0;
	s6 =	simm.s32 $0x2;
	s7 =	sshll.u32 s7, $0x6  }
0x9: {  	s10 =	simm.s32 $0x0;
	[sflag:s6] =	ssyncpa.u1 $0x0;
	s8 =	sadd.s32 $0x40, s7  }
0xa: {  	vm0 =	vmmov $0xff;
	vm1 =	vcmask $0x3F20;
	[sflag:s9] =	ssyncpa.u1 $0x0;
	s9 =	simm.s32 $0x40;
	s11 =	smov.u32 s7  }
.LBB2_11:
0xb: {  	p0 =	seq.s32 s10, $0x2  }
.Ltmp1:
0xc: {  	_ = 	snop;
	(pc) =	sbr.rel @p0 .LBB2_13-.Ltmp1, $1  }
0xd: {  	_ =	sdelay $0x3  }
.LBB2_12:
0xe: {  	s12 =	sadd.s32 $0x40, s11  }
0xf: {  	s13 =	smov.u32 s7;
	p0 =	slt.s32 s12, s8  }
0x10: {  	s13 =	smov.u32 @p0 s12  }
0x11: {  	s10 =	sadd.s32 $0x1, s10;
	s12 =	smov.u32 s11;
	s11 =	smov.u32 s13  }
.LBB2_1:
0x12: {  	p0 =	sne.s32 s10, $0x0  }
.Ltmp2:
0x13: {  	_ = 	snop;
	(pc) =	sbr.rel @!p0 .LBB2_2-.Ltmp2, $1  }
0x14: {  	_ =	sdelay $0x3  }
0x15: {  	s13 =	sand.u32 $0x1, s10  }
0x16: {  	p0 =	seq.s32 s13, $0x0  }
.Ltmp3:
0x17: {  	_ = 	snop;
	(pc) =	sbr.rel @p0 .LBB2_11-.Ltmp3, $1  }
0x18: {  	_ =	sdelay $0x3  }
0x19: {  	_ =	swait.ge [sflag:s6], $0x40  }
0x1a: {  	[sflag:s6] =	ssyncset.done $0x0  }
0x1b: {  	s13 =	simm.s32 $0x0;
	s14 =	simm.s32 $0x80;
	[sflag:s6] =	ssyncadd.s32 $0xFFFFFFC0  }
.LBB2_5:
0x1c: {  	s15 =	sshll.u32 s13, $0x4  }
0x1d: {  	s15 =	sand.u32 $0x3FFFFFF0, s15  }
0x1e: {  	v0 =	vld.msk [tilespmem:s15+$0x40 ss:$0x1], $0xffff;
	_ =	sdelay $0x4  }
0x1f: {  	vm2 =	vgt.s32 v0, $0x0  }
0x20: {  	v0 =	vnsel vm2, $0x0, v0  }
0x21: {  	v0 =	vmin.u32 v0, $0x1869F  }
0x22: {  	v1 =	vshll.u32 v0, $0x6;
	v0 =	vshll.u32 v0, $0x4  }
0x23: {  	v1 =	vand.u32 $0x7FFE00, v1;
	v0 =	vand.u32 $0x70, v0  }
0x24: {  	v0 =	vor.u32 v0, v1;
	_ =	sdelay $0x2  }
0x25: {  	s16 =	sadd.s32 $0xFFFFF000, s14  }
0x26: {  	s31 =	sadd.s32 $0x9000, s16;
	s16 =	sadd.s32 $0xA000, s16;
	s15 =	simm.s32 $0xFFFFD000  }
0x27: {  	v1 =	vadd.s32 $0x80, v0;
	[tilespmem:s31], [sflag:$0x1] =	stream.indirect_vreg.gather [hbm:s2], $0x80, v0, vm0, $0x38;
	[tilespmem:$0x10080] =	vst v63  }
.LBB2_6:
0x28: {  	[tilespmem:s16], [sflag:$0x1] =	stream.indirect_vreg.gather [hbm:s2], $0x80, v0, vm1, $0x38;
	[tilespmem:$0x10080] =	vst v63  }
0x29: {  	v0 =	vmov v1;
	p0 =	sne.s32 s15, $0xFFFFF000  }
.Ltmp4:
0x2a: {  	s16 =	sshra.s32 s15, $0x2;
	(pc) =	sbr.rel @p0 .LBB2_6-.Ltmp4, $4  }
0x2b: {  	s15 =	sadd.s32 $0x1000, s15;
	s16 =	sadd.s32 s16, s14  }
0x2c: {  	s17 =	sadd.s32 $0x9000, s16  }
0x2d: {  	[tilespmem:s17], [sflag:$0x1] =	stream.indirect_vreg.gather [hbm:s2], $0x80, v1, vm0, $0x38;
	[tilespmem:$0x10080] =	vst v63  }
0x2e: {  	s16 =	sadd.s32 $0xA000, s16;
	v1 =	vadd.s32 $0x80, v1  }
0x2f: {  	s13 =	sadd.s32 $0x1, s13  }
0x30: {  	p0 =	sne.s32 s13, $0x4  }
.Ltmp5:
0x31: {  	_ = 	snop;
	(pc) =	sbr.rel @p0 .LBB2_5-.Ltmp5, $3  }
0x32: {  	_ =	sdelay $0x1  }
0x33: {  	[tilespmem:s16], [sflag:$0x1] =	stream.indirect_vreg.gather [hbm:s2], $0x80, v0, vm1, $0x38;
	[tilespmem:$0x10080] =	vst v63  }
0x34: {  	s14 =	sadd.s32 $0x2000, s14  }
0x35: {  	s13 =	sshll.u32 s12, $0x6  }
0x36: {  	_ =	swait.ge [sflag:s5], $0x8000;
	s31 =	sshll.u32 s12, $0x4;
	s13 =	sand.u32 $0xFFFFFE00, s13  }
0x37: {  	s14 =	simm.s32 $0x200;
	s12 =	sand.u32 $0x70, s31;
	s13 =	sadd.s32 s13, s4  }
0x38: {  	s15 =	simm.s32 $0x9080;
	[sflag:s5] =	ssyncset.done $0x0;
	s12 =	sadd.s32 s12, s13  }
0x39: {  	[sflag:s5] =	ssyncadd.s32 $0xFFFF8000;
	s13 =	simm.s32 $0x8080;
	s16 =	sadd.s32 $0x0, s12  }
.LBB2_9:
0x3a: {  	[hbm:s16] =	stream.linear.scatter [tilespmem:s13], [sflag:$0x3], $0x1000, $0x38;
	[tilespmem:$0x10080] =	vst v63  }
0x3b: {  	s16 =	smov.u32 s14;
	s13 =	smov.u32 s15;
	p0 =	sne.s32 s14, $0xE00  }
.Ltmp6:
0x3c: {  	s14 =	sadd.s32 $0x200, s14;
	(pc) =	sbr.rel @p0 .LBB2_9-.Ltmp6, $2  }
0x3d: {  	_ =	sdelay $0x2  }
0x3e: {  	s15 =	sadd.s32 $0x1000, s15;
	s16 =	sadd.s32 s16, s12  }
.Ltmp7:
0x3f: {  	(pc) =	sbr.rel .LBB2_11-.Ltmp7, $2  }
0x40: {  	_ =	sdelay $0x2  }
0x41: {  	[hbm:s16] =	stream.linear.scatter [tilespmem:s13], [sflag:$0x3], $0x1000, $0x38;
	[tilespmem:$0x10080] =	vst v63  }
.LBB2_2:
.Ltmp8:
0x42: {  	(pc) =	sbr.rel .LBB2_12-.Ltmp8, $4  }
0x43: {  	_ = 	snop  }
0x44: {  	s12 =	sshrl.u32 s11, $0x3  }
0x45: {  	s13 =	sand.u32 $0x7, s11;
	s12 =	sadd.s32 s3, s12  }
0x46: {  	[tilespmem:s9], [sflag:$0x2] =	stream.linear.gather [hbm4b:s12+s13], $0x40, $0x38;
	[tilespmem:$0x10080] =	vst v63  }
.LBB2_13:
0x47: {  	s2 =	simm.s32 $0x3  }
0x48: {  	_ =	swait.ge [sflag:s2], $0x8000  }
0x49: {  	[sflag:s2] =	ssyncset.done $0x0  }
0x4a: {  	[sflag:s2] =	ssyncadd.s32 $0xFFFF8000  }
0x4b: {  	_ =	sfence.sel $0x180000  }
0x4c: {  	s3 =	simm.s32 $0x2;
	[bflag:$0x0] =	sbarrier.arrive $0xFFFF  }
0x4d: {  	[sflag:s3] =	ssyncpa.u1 $0x1  }
0x4e: {  	s31 =	simm.s32 $0x1;
	[sflag:s2] =	ssyncpa.u1 $0x1  }
0x4f: {  	[sflag:s31] =	ssyncpa.u1 $0x1  }
0x50: {  	p0 =	sne.s32 s1, $0x0;
	_ =	strace $0x90000047  }
0x51: {  	s0 =	sadd.s32 @!p0 $0x100000, s0;
	[bflag:$0x2] =	sbarrier.arrive $0xFFFF  }
0x52: {  	[sflag:s0] =	ssyncadd.tile.s32 @!p0 $0x1;
	_ =	shalt  }
.Lfunc_end2:
_tile_overlayer_lowered:
.L_overlay_start_2:
0x53: {  	(tag) =	ssettag $0x2  }
0x54: {  	s0 =	rddreg [dreg:$0x0];
	s2 =	stileid.u32  }
0x55: {  	s1 =	rddreg [dreg:$0x1];
	p0 =	sne.s32 s2, $0x0  }
0x56: {  	s3 =	rddreg [dreg:$0x2];
	[bflag:$0x3] =	sbarrier.arrive $0xFFFF;
	s2 =	simm.s32 @!p0 $0x1C01  }
0x57: {  	[timem:s3], [sflag:s2] =	dma.local @!p0 [hbm:s0], s1  }
0x58: {  	s0 =	simm.s32 @!p0 $0x1  }
0x59: {  	_ =	swait.ge @!p0 [sflag:s0], s1  }
0x5a: {  	s1 =	ssub.s32 @!p0 $0x0, s1;
	[sflag:s0] =	ssyncset.done @!p0 $0x0  }
0x5b: {  	[sflag:s0] =	ssyncadd.s32 @!p0 s1  }
0x5c: {  	[bflag:$0x3] =	sbarrier.arrive $0xFFFF  }
0x5d: {  	_ =	shalt  }

// kernel: kernel.6.cloned.1.call-start
scs
__scs_entry_jumppad:
0x0: {  	(pc) =	sbr.rel $0x88, $3  }
0x1: {  	(tag) =	ssettag $0x0;
	lr =	simm.s32 $0x1  }
0x2: {  	[smem:$0x3F9D] =	sst lr;
	_ =	strace $0xD0000000  }
0x3: {  	_ = 	snop  }
0x4: {  	_ = 	snop  }
0x5: {  	_ = 	snop  }
0x6: {  	_ = 	snop  }
0x7: {  	_ = 	snop  }
__scs_overlays_trampoline_lowered:
0x8: {  	[smem:$0x3FAC] =	sst s0  }
0x9: {  	[smem:$0x3FAD] =	sst s1  }
0xa: {  	[smem:$0x3FAE] =	sst s2  }
0xb: {  	[smem:$0x3FAF] =	sst s3  }
0xc: {  	[smem:$0x3FB0] =	sst s4  }
0xd: {  	[smem:$0x3FB1] =	sst s5  }
0xe: {  	[smem:$0x3FB2] =	sst s6  }
0xf: {  	[smem:$0x3FB3] =	sst s7  }
0x10: {  	[smem:$0x3FB4] =	sst s8  }
0x11: {  	[smem:$0x3FB5] =	sst s9;
	s0 =	simm.s32 @!p0 $0x0  }
0x12: {  	s1 =	sld [smem:$0x3F9B];
	s0 =	simm.s32 @p0 $0x1  }
0x13: {  	[smem:$0x3FB6] =	sst s0;
	s0 =	simm.s32 @!p1 $0x0  }
0x14: {  	s2 =	sld [smem:$0x3F9A];
	s0 =	simm.s32 @p1 $0x1  }
0x15: {  	[smem:$0x3FB7] =	sst s0;
	s0 =	simm.s32 @!p2 $0x0  }
0x16: {  	s3 =	sld [smem:$0x3FDB];
	s0 =	simm.s32 @p2 $0x1  }
0x17: {  	s4 =	simm.s32 $0x1BF5;
	[smem:$0x3FB9] =	sst s0  }
0x18: {  	s0 =	sld [smem:$0x3F9C];
	_ =	swait.ge [sflag:s4], $0x0  }
0x19: {  	s7 =	sld [smem:$0x3F9D]  }
0x1a: {  	s8 =	sadd.s32 $0xFFFFE003, lr  }
0x1b: {  	s9 =	sadd.s32 $0xFFFFFEF7, lr;
	s5 =	simm.s32 $0xFFFFFFFF;
	p2 =	slt.u32 s8, $0xFFFFF086  }
0x1c: {  	p1 =	slt.u32 s9, $0xF7A;
	s5 =	simm.s32 @!p2 $0x0  }
0x1d: {  	s5 =	simm.s32 @p1 $0x1;
	p0 =	seq.s32 s7, s2  }
0x1e: {  	s7 =	smul.u32 @!p0 $0xF7A, s2;
	p2 =	seq.s32 @!p0 s5, $0x0  }
0x1f: {  	s9 =	smul.u32 $0xF7A, s1;
	s8 =	simm.s32 @!p0 $0x1BF5;
	p2 =	por !p2, p0  }
0x20: {  	[sflag:s8] =	ssyncset.s32 @!p0 $0xFFFFF086;
	s6 =	sadd.s32 @!p0 s3, s7;
	s7 =	simm.s32 @!p0 $0x108  }
0x21: {  	s3 =	sadd.s32 s3, s9;
	s6 =	sadd.s32 @!p0 $0x88, s6;
	s7 =	simm.s32 @p2 $0x1082  }
0x22: {  	[simem:s7], [sflag:s8] =	dma.local @!p0 [hbm:s6], $0xF7A  }
0x23: {  	s9 =	sor.u32 $0xD0000000, s2;
	s6 =	simm.s32 $0x108;
	_ =	swait.ge @!p0 [sflag:s8], $0x0  }
0x24: {  	s3 =	sadd.s32 $0x88, s3;
	s6 =	simm.s32 @!p1 $0x1082;
	[sflag:s4] =	ssyncset.s32 $0xFFFFF086  }
0x25: {  	[simem:s6], [sflag:s4] =	dma.local [hbm:s3], $0xF7A  }
0x26: {  	[smem:$0x3F9D] =	sst s1;
	(tag) =	ssettag s2;
	_ =	strace s9  }
0x27: {  	s1 =	sld [smem:$0x3FAD]  }
0x28: {  	s2 =	sld [smem:$0x3FAE]  }
0x29: {  	s4 =	sld [smem:$0x3FB0]  }
0x2a: {  	p0 =	seq.s32 s5, $0x0;
	s5 =	sld [smem:$0x3FB1]  }
0x2b: {  	s6 =	sld [smem:$0x3FB2]  }
0x2c: {  	s7 =	sld [smem:$0x3FB3]  }
0x2d: {  	s3 =	simm.s32 $0x108;
	s8 =	sld [smem:$0x3FB4]  }
0x2e: {  	s3 =	simm.s32 @!p0 $0x1082;
	s9 =	sld [smem:$0x3FB5]  }
0x2f: {  	lr =	sadd.s32 s0, s3;
	s0 =	sld [smem:$0x3FAC]  }
0x30: {  	s3 =	sld [smem:$0x3FAF]  }
0x31: {  	[smem:$0x3FB8] =	sst s10  }
0x32: {  	s10 =	sld [smem:$0x3FB6];
	_ =	sdelay $0x3  }
0x33: {  	p0 =	seq.s32 s10, $0x1;
	s10 =	sld [smem:$0x3FB8];
	_ =	sdelay $0x3  }
0x34: {  	[smem:$0x3FB8] =	sst s10  }
0x35: {  	s10 =	sld [smem:$0x3FB7];
	_ =	sdelay $0x3  }
0x36: {  	p1 =	seq.s32 s10, $0x1;
	s10 =	sld [smem:$0x3FB8];
	_ =	sdelay $0x3  }
0x37: {  	[smem:$0x3FB8] =	sst s10  }
0x38: {  	s10 =	sld [smem:$0x3FB9]  }
0x39: {  	_ = 	snop;
	(pc) =	sbr.ind lr, $3  }
0x3a: {  	_ = 	snop  }
0x3b: {  	_ = 	snop  }
0x3c: {  	p2 =	seq.s32 s10, $0x1;
	s10 =	sld [smem:$0x3FB8]  }
0x3d: {  	_ =	shalt  }
0x3e: {  	_ =	shalt  }
0x3f: {  	_ =	shalt  }
0x40: {  	_ =	shalt  }
0x41: {  	_ =	shalt  }
0x42: {  	_ =	shalt  }
0x43: {  	_ =	shalt  }
0x44: {  	_ =	shalt  }
0x45: {  	_ =	shalt  }
0x46: {  	_ =	shalt  }
0x47: {  	_ =	shalt  }
0x48: {  	_ =	shalt  }
0x49: {  	_ =	shalt  }
0x4a: {  	_ =	shalt  }
0x4b: {  	_ =	shalt  }
0x4c: {  	_ =	shalt  }
0x4d: {  	_ =	shalt  }
0x4e: {  	_ =	shalt  }
0x4f: {  	_ =	shalt  }
0x50: {  	_ =	shalt  }
0x51: {  	_ =	shalt  }
0x52: {  	_ =	shalt  }
0x53: {  	_ =	shalt  }
0x54: {  	_ =	shalt  }
0x55: {  	_ =	shalt  }
0x56: {  	_ =	shalt  }
0x57: {  	_ =	shalt  }
0x58: {  	_ =	shalt  }
0x59: {  	_ =	shalt  }
0x5a: {  	_ =	shalt  }
0x5b: {  	_ =	shalt  }
0x5c: {  	_ =	shalt  }
0x5d: {  	_ =	shalt  }
0x5e: {  	_ =	shalt  }
0x5f: {  	_ =	shalt  }
0x60: {  	_ =	shalt  }
0x61: {  	_ =	shalt  }
0x62: {  	_ =	shalt  }
0x63: {  	_ =	shalt  }
0x64: {  	_ =	shalt  }
0x65: {  	_ =	shalt  }
0x66: {  	_ =	shalt  }
0x67: {  	_ =	shalt  }
0x68: {  	_ =	shalt  }
0x69: {  	_ =	shalt  }
0x6a: {  	_ =	shalt  }
0x6b: {  	_ =	shalt  }
0x6c: {  	_ =	shalt  }
0x6d: {  	_ =	shalt  }
0x6e: {  	_ =	shalt  }
0x6f: {  	_ =	shalt  }
0x70: {  	_ =	shalt  }
0x71: {  	_ =	shalt  }
0x72: {  	_ =	shalt  }
0x73: {  	_ =	shalt  }
0x74: {  	_ =	shalt  }
0x75: {  	_ =	shalt  }
0x76: {  	_ =	shalt  }
0x77: {  	_ =	shalt  }
0x78: {  	_ =	shalt  }
0x79: {  	_ =	shalt  }
0x7a: {  	_ =	shalt  }
0x7b: {  	_ =	shalt  }
0x7c: {  	_ =	shalt  }
0x7d: {  	_ =	shalt  }
0x7e: {  	_ =	shalt  }
0x7f: {  	_ =	shalt  }
0x80: {  	_ =	shalt  }
0x81: {  	_ =	shalt  }
0x82: {  	_ =	shalt  }
0x83: {  	_ =	shalt  }
0x84: {  	_ =	shalt  }
0x85: {  	_ =	shalt  }
0x86: {  	_ =	shalt  }
0x87: {  	_ =	shalt  }
.Lfunc_end0:
.L_simem_size_0:
called_computation.1_lowered:
.L_overlay_start_0:
0x88: {  	s2 =	sld [smem:$0x3FD9]  }
0x89: {  	s3 =	sld [smem:$0x3FFE];
	_ =	sdelay $0x1  }
0x8a: {  	s1 =	srdreg.scid  }
0x8b: {  	s0 =	sand.u32 $0x1, s1  }
0x8c: {  	s14 =	sshll.u32 s0, $0xA;
	s2 =	sadd.s32 s3, s2  }
0x8d: {  	s2 =	sadd.s32 s2, s14  }
0x8e: {  	[smem:$0x3FC4] =	sst s2  }
0x8f: {  	_ = 	snop  }
0x90: {  	s2 =	sld [smem:$0x3FD0];
	_ =	sdelay $0x1  }
0x91: {  	s15 =	sld [smem:$0x3FC8]  }
0x92: {  	s5 =	simm.s32 $0xA;
	s6 =	simm.s32 $0x10;
	s4 =	sld [smem:$0x3FC7]  }
0x93: {  	[smem:s6], [sflag:s5] =	dma.local [hbm:s2], $0x1  }
0x94: {  	_ =	swait.eq [sflag:s5], $0x1  }
0x95: {  	[sflag:s5] =	ssyncset.done $0x0  }
0x96: {  	s16 =	sld [smem:$0x10];
	[sflag:s5] =	ssyncadd.s32 $0xFFFFFFFF  }
0x97: {  	s17 =	sld [smem:$0x12];
	(tm) =	ssettm $0x1  }
0x98: {  	s18 =	sld [smem:$0x3FFB];
	_ =	sdelay $0x3  }
0x99: {  	_ =	strace s18  }
0x9a: {  	s6 =	sld [smem:$0x3FFC];
	_ =	sdelay $0x3  }
0x9b: {  	_ =	strace s6  }
0x9c: {  	s6 =	sld [smem:$0x3FFD];
	_ =	sdelay $0x3  }
0x9d: {  	_ =	strace s6  }
0x9e: {  	_ =	strace $0x8FFFFFFF  }
0x9f: {  	s19 =	sld [smem:$0x3FDB];
	_ =	sdelay $0x1  }
0xa0: {  	s7 =	simm.s32 $_scs_section_size  }
0xa1: {  	s8 =	simm.s32 $_size__tile_overlayer_lowered;
	s9 =	simm.s32 $_tile_overlayer_lowered  }
0xa2: {  	s22 =	simm.s32 $0x1BFF;
	s21 =	sshll.u32 s9, $0x1;
	s6 =	sadd.s32 s7, s19  }
0xa3: {  	s10 =	simm.s32 $0x0;
	s20 =	sshll.u32 s8, $0x1;
	s8 =	sadd.s32 s21, s6  }
0xa4: {  	[timem:s10], [sflag:s22] =	dma.local [hbm:s8], s20  }
0xa5: {  	_ =	swait.ge [sflag:s22], s20  }
0xa6: {  	s7 =	ssub.s32 $0x0, s20;
	[sflag:s22] =	ssyncset.done $0x0  }
0xa7: {  	[sflag:s22] =	ssyncadd.s32 s7;
	_ =	sdelay $0x1  }
0xa8: {  	s23 =	simm.s32 $0x1B8B  }
0xa9: {  	_ =	swait.ge [sflag:s23], $0x1  }
0xaa: {  	[sflag:s23] =	ssyncset.done $0x0  }
0xab: {  	s25 =	simm.s32 $0x1B8E;
	s24 =	sld [smem:$0x3FFE];
	[sflag:s23] =	ssyncadd.s32 $0xFFFFFFFF  }
0xac: {  	s26 =	simm.s32 $execute0_lowered;
	[smem:$0x3FD2] =	sst s25  }
0xad: {  	s8 =	sshll.u32 s26, $0x1;
	_ =	strace $0x80000049;
	[dreg:$0x1] =	wrdreg $0xFFFFFFFF  }
0xae: {  	s28 =	simm.s32 $_size_execute0_lowered;
	s6 =	sadd.s32 s6, s8;
	[dreg:$0x0] =	wrdreg $0x0  }
0xaf: {  	s8 =	sshll.u32 s28, $0x1;
	[dreg:$0x2] =	wrdreg s6  }
0xb0: {  	[dreg:$0x3] =	wrdreg s8  }
0xb1: {  	[dreg:$0x4] =	wrdreg $0xC0  }
0xb2: {  	_ =	task [dreg:s10], $0x5FFFF  }
0xb3: {  	[dreg:$0x1] =	wrdreg $0xFFFFFFFF  }
0xb4: {  	[dreg:$0x0] =	wrdreg $0x60  }
0xb5: {  	[dreg:$0x2] =	wrdreg s15  }
0xb6: {  	[dreg:$0x3] =	wrdreg s4  }
0xb7: {  	[dreg:$0x4] =	wrdreg s17  }
0xb8: {  	[dreg:$0x5] =	wrdreg s16  }
0xb9: {  	[dreg:$0x6] =	wrdreg s24  }
0xba: {  	[dreg:$0x7] =	wrdreg $0x9  }
0xbb: {  	_ =	task.clear_ibuf [dreg:s10], $0x8FFFF;
	_ =	strace $0x90000049  }
0xbc: {  	s29 =	simm.s32 $0x9;
	_ =	strace $0x8000004B  }
0xbd: {  	_ =	swait.ge [sflag:s29], $0x1  }
0xbe: {  	[sflag:s29] =	ssyncadd.s32 $0xFFFFFFFF  }
0xbf: {  	_ =	strace $0x9000004B  }
0xc0: {  	_ =	sfence  }
0xc1: {  	s30 =	sld [smem:$0x0];
	_ =	sdelay $0x2  }
0xc2: {  	s31 =	sshll.u32 s1, $0xD;
	s1 =	sshrl.u32 s1, $0x2  }
0xc3: {  	s3 =	sand.u32 $0x4000, s31;
	s1 =	sadd.s32 s1, s30  }
0xc4: {  	s0 =	sor.u32 s3, s0;
	s1 =	sshll.u32 s1, $0x11  }
0xc5: {  	s0 =	sor.u32 s1, s0  }
0xc6: {  	s0 =	sadd.s32 $0x8F2B, s0  }
0xc7: {  	[sflag:s0] =	ssyncadd.remote.s32 $0x1  }
0xc8: {  	_ =	sfence.sel $0xFFFF  }
0xc9: {  	[dreg:$0x0] =	wrdreg $0xFFFFFFFF;
	(pc) =	sbr.abs _section_cstart, $3  }
0xca: {  	[dreg:$0x1] =	wrdreg $0xFFFFFFFF  }
0xcb: {  	_ =	task.clear_ibuf [dreg:s10], $0x2FFFF;
	_ =	strace $0x9FFFFFFF  }
0xcc: {  	(tm) =	ssettm $0x7FFFFFFF  }
0xcd: {  	_ =	shalt  }
tec
execute0_lowered:
.L_overlay_start_1:
0x0: {  	(tag) =	ssettag $0x1  }
0x1: {  	s1 =	rddreg [dreg:$0x0]  }
0x2: {  	s2 =	rddreg [dreg:$0x1]  }
0x3: {  	s5 =	rddreg [dreg:$0x2]  }
0x4: {  	s8 =	rddreg [dreg:$0x3]  }
0x5: {  	s9 =	rddreg [dreg:$0x4];
	s4 =	srdreg.scid  }
0x6: {  	s0 =	rddreg [dreg:$0x5];
	s3 =	stileid.u32;
	s12 =	simm.s32 $0x80  }
0x7: {  	s13 =	simm.s32 $0x880;
	s14 =	simm.s32 $0x1080;
	s15 =	simm.s32 $0x1880  }
0x8: {  	s16 =	simm.s32 $0x2080;
	s17 =	simm.s32 $0x2880;
	s18 =	simm.s32 $0x3080  }
0x9: {  	s19 =	simm.s32 $0x3880;
	s20 =	simm.s32 $0x4080;
	s21 =	simm.s32 $0x4880  }
0xa: {  	s22 =	simm.s32 $0x5080;
	s23 =	simm.s32 $0x5880;
	s24 =	simm.s32 $0x6080  }
0xb: {  	s25 =	simm.s32 $0x6880;
	s28 =	simm.s32 $0x7880;
	s29 =	simm.s32 $0x1  }
0xc: {  	s30 =	simm.s32 $0x2;
	s6 =	sand.u32 $0x1, s4;
	s4 =	simm.s32 $0x0  }
0xd: {  	s7 =	sshll.u32 s3, $0x6;
	s10 =	sshll.u32 s6, $0x5;
	s6 =	ssub.s32 $0x2, s6  }
0xe: {  	[smem:$0x7FF] =	sst s4;
	s7 =	sor.u32 s10, s7;
	s26 =	sshrl.u32 s6, $0x1  }
0xf: {  	_ =	strace $0x8000004A;
	s11 =	sshrl.u32 s7, $0x3;
	s10 =	ssub.s32 s6, s26  }
0x10: {  	v2 =	vlaneseq.u32;
	s31 =	sshll.u32 s7, $0x6;
	s6 =	sadd.s32 $0x100, s1;
	s7 =	sadd.s32 $0x100, s2  }
0x11: {  	vm0 =	vmmov $0xffff;
	v1 =	vshrl.u32 v2, $0x3;
	s26 =	simm.s32 $0x7080;
	s5 =	sadd.s32 s5, s11;
	s8 =	sadd.s32 s8, s31  }
0x12: {  	v0 =	vand.u32 $0x7, v2;
	v2 =	vor.u32 $0x8, v2;
	v1 =	vmul.u32 $0x8, v1;
	s9 =	sadd.s32 s9, s31;
	s10 =	smax.u32 s10, $0x1;
	s11 =	simm.s32 $0x3  }
.LBB2_1:
0x13: {  	[tilespmem:s4], [sflag:$0x3] =	stream.linear.gather [hbm4b:s5+s4], $0x20, $0x38;
	[tilespmem:$0x8080] =	vst v63  }
0x14: {  	_ =	swait.ge [sflag:s11], $0x20  }
0x15: {  	[sflag:s11] =	ssyncset.done $0x0  }
0x16: {  	[sflag:s11] =	ssyncadd.s32 $0xFFFFFFE0  }
0x17: {  	v3 =	vld [tilespmem:$0x0];
	_ =	sdelay $0x4  }
0x18: {  	v4 =	vshll.u32 v3, $0x2  }
0x19: {  	v3 =	vand.u32 $0x7, v3;
	v4 =	vand.u32 $0xFFFFFFE0, v4  }
0x1a: {  	v3 =	vor.u32 v3, v4  }
0x1b: {  	v4 =	vperm.xlane v3, v0;
	_ =	sdelay $0x1  }
0x1c: {  	v4 =	vadd.s32 v1, v4;
	_ =	sdelay $0x1  }
0x1d: {  	v3 =	vperm.xlane v3, v2;
	_ =	sdelay $0x1  }
0x1e: {  	v3 =	vadd.s32 v1, v3  }
0x1f: {  	[tilespmem:s12], [sflag:$0x1] =	stream.indirect_vreg.gather [hbm4b:s1+s4], $0x80, v4, vm0, $0xb8;
	[tilespmem:$0x8080] =	vst v63  }
0x20: {  	_ = 	snop  }
0x21: {  	[tilespmem:s13], [sflag:$0x1] =	stream.indirect_vreg.gather [hbm4b:s6+s4], $0x80, v4, vm0, $0xb8;
	[tilespmem:$0x8080] =	vst v63  }
0x22: {  	_ = 	snop  }
0x23: {  	[tilespmem:s14], [sflag:$0x1] =	stream.indirect_vreg.gather [hbm4b:s1+s4], $0x80, v3, vm0, $0xb8;
	[tilespmem:$0x8080] =	vst v63  }
0x24: {  	_ = 	snop  }
0x25: {  	[tilespmem:s15], [sflag:$0x1] =	stream.indirect_vreg.gather [hbm4b:s6+s4], $0x80, v3, vm0, $0xb8;
	[tilespmem:$0x8080] =	vst v63  }
0x26: {  	v3 =	vld [tilespmem:$0x10];
	_ =	sdelay $0x4  }
0x27: {  	v61 =	vshll.u32 v3, $0x2  }
0x28: {  	v3 =	vand.u32 $0x7, v3;
	v4 =	vand.u32 $0xFFFFFFE0, v61  }
0x29: {  	v3 =	vor.u32 v3, v4  }
0x2a: {  	v4 =	vperm.xlane v3, v0;
	_ =	sdelay $0x1  }
0x2b: {  	v4 =	vadd.s32 v1, v4;
	_ =	sdelay $0x1  }
0x2c: {  	v3 =	vperm.xlane v3, v2;
	_ =	sdelay $0x1  }
0x2d: {  	v3 =	vadd.s32 v1, v3  }
0x2e: {  	[tilespmem:s16], [sflag:$0x1] =	stream.indirect_vreg.gather [hbm4b:s1+s4], $0x80, v4, vm0, $0xb8;
	[tilespmem:$0x8080] =	vst v63  }
0x2f: {  	_ = 	snop  }
0x30: {  	[tilespmem:s17], [sflag:$0x1] =	stream.indirect_vreg.gather [hbm4b:s6+s4], $0x80, v4, vm0, $0xb8;
	[tilespmem:$0x8080] =	vst v63  }
0x31: {  	_ = 	snop  }
0x32: {  	[tilespmem:s18], [sflag:$0x1] =	stream.indirect_vreg.gather [hbm4b:s1+s4], $0x80, v3, vm0, $0xb8;
	[tilespmem:$0x8080] =	vst v63  }
0x33: {  	_ = 	snop  }
0x34: {  	[tilespmem:s19], [sflag:$0x1] =	stream.indirect_vreg.gather [hbm4b:s6+s4], $0x80, v3, vm0, $0xb8;
	[tilespmem:$0x8080] =	vst v63  }
0x35: {  	v3 =	vld [tilespmem:$0x0];
	_ =	sdelay $0x4  }
0x36: {  	v62 =	vshll.u32 v3, $0x2  }
0x37: {  	v3 =	vand.u32 $0x7, v3;
	v4 =	vand.u32 $0xFFFFFFE0, v62  }
0x38: {  	v3 =	vor.u32 v3, v4  }
0x39: {  	v4 =	vperm.xlane v3, v0;
	_ =	sdelay $0x1  }
0x3a: {  	v4 =	vadd.s32 v1, v4;
	_ =	sdelay $0x1  }
0x3b: {  	v3 =	vperm.xlane v3, v2;
	_ =	sdelay $0x1  }
0x3c: {  	v3 =	vadd.s32 v1, v3  }
0x3d: {  	[tilespmem:s20], [sflag:$0x2] =	stream.indirect_vreg.gather [hbm4b:s2+s4], $0x80, v4, vm0, $0xb8;
	[tilespmem:$0x8080] =	vst v63  }
0x3e: {  	_ = 	snop  }
0x3f: {  	[tilespmem:s21], [sflag:$0x2] =	stream.indirect_vreg.gather [hbm4b:s7+s4], $0x80, v4, vm0, $0xb8;
	[tilespmem:$0x8080] =	vst v63  }
0x40: {  	_ = 	snop  }
0x41: {  	[tilespmem:s22], [sflag:$0x2] =	stream.indirect_vreg.gather [hbm4b:s2+s4], $0x80, v3, vm0, $0xb8;
	[tilespmem:$0x8080] =	vst v63  }
0x42: {  	_ = 	snop  }
0x43: {  	[tilespmem:s23], [sflag:$0x2] =	stream.indirect_vreg.gather [hbm4b:s7+s4], $0x80, v3, vm0, $0xb8;
	[tilespmem:$0x8080] =	vst v63  }
0x44: {  	v3 =	vld [tilespmem:$0x10];
	_ =	sdelay $0x4  }
0x45: {  	v63 =	vshll.u32 v3, $0x2  }
0x46: {  	v3 =	vand.u32 $0x7, v3;
	v4 =	vand.u32 $0xFFFFFFE0, v63  }
0x47: {  	v3 =	vor.u32 v3, v4  }
0x48: {  	v4 =	vperm.xlane v3, v0;
	_ =	sdelay $0x1  }
0x49: {  	v4 =	vadd.s32 v1, v4;
	_ =	sdelay $0x1  }
0x4a: {  	v3 =	vperm.xlane v3, v2;
	_ =	sdelay $0x1  }
0x4b: {  	v3 =	vadd.s32 v1, v3  }
0x4c: {  	[tilespmem:s24], [sflag:$0x2] =	stream.indirect_vreg.gather [hbm4b:s2+s4], $0x80, v4, vm0, $0xb8;
	[tilespmem:$0x8080] =	vst v63  }
0x4d: {  	_ = 	snop  }
0x4e: {  	[tilespmem:s25], [sflag:$0x2] =	stream.indirect_vreg.gather [hbm4b:s7+s4], $0x80, v4, vm0, $0xb8;
	[tilespmem:$0x8080] =	vst v63  }
0x4f: {  	_ = 	snop  }
0x50: {  	[tilespmem:s26], [sflag:$0x2] =	stream.indirect_vreg.gather [hbm4b:s2+s4], $0x80, v3, vm0, $0xb8;
	[tilespmem:$0x8080] =	vst v63  }
0x51: {  	_ = 	snop  }
0x52: {  	[tilespmem:s28], [sflag:$0x2] =	stream.indirect_vreg.gather [hbm4b:s7+s4], $0x80, v3, vm0, $0xb8;
	[tilespmem:$0x8080] =	vst v63  }
0x53: {  	_ =	swait.ge [sflag:s29], $0x4000  }
0x54: {  	[sflag:s29] =	ssyncset.done $0x0  }
0x55: {  	[sflag:s29] =	ssyncadd.s32 $0xFFFFC000  }
0x56: {  	[hbm4b:s8+s4] =	stream.linear.scatter [tilespmem:s12], [sflag:$0x3], $0x4000, $0x38;
	[tilespmem:$0x8080] =	vst v63  }
0x57: {  	_ =	swait.ge [sflag:s11], $0x4000  }
0x58: {  	[sflag:s11] =	ssyncset.done $0x0  }
0x59: {  	[sflag:s11] =	ssyncadd.s32 $0xFFFFC000  }
0x5a: {  	_ =	swait.ge [sflag:s30], $0x4000  }
0x5b: {  	p0 =	sne.s32 s10, $0x1;
	[sflag:s30] =	ssyncset.done $0x0  }
.Ltmp0:
0x5c: {  	[sflag:s30] =	ssyncadd.s32 $0xFFFFC000;
	(pc) =	sbr.rel @p0 .LBB2_1-.Ltmp0, $4  }
0x5d: {  	[hbm4b:s9+s4] =	stream.linear.scatter [tilespmem:s20], [sflag:$0x3], $0x4000, $0x38;
	[tilespmem:$0x8080] =	vst v63  }
0x5e: {  	_ =	swait.ge [sflag:s11], $0x4000  }
0x5f: {  	[sflag:s11] =	ssyncset.done $0x0  }
0x60: {  	s10 =	sadd.s32 $0xFFFFFFFF, s10;
	[sflag:s11] =	ssyncadd.s32 $0xFFFFC000  }
0x61: {  	_ =	sfence.sel $0x180000  }
0x62: {  	[bflag:$0x0] =	sbarrier.arrive $0xFFFF  }
0x63: {  	p0 =	sne.s32 s3, $0x0;
	_ =	strace $0x9000004A  }
0x64: {  	s0 =	sadd.s32 @!p0 $0x100000, s0;
	[bflag:$0x2] =	sbarrier.arrive $0xFFFF  }
0x65: {  	[sflag:s0] =	ssyncadd.tile.s32 @!p0 $0x1;
	_ =	shalt  }
.Lfunc_end2:
_tile_overlayer_lowered:
.L_overlay_start_2:
0x66: {  	(tag) =	ssettag $0x2  }
0x67: {  	s0 =	rddreg [dreg:$0x0];
	s2 =	stileid.u32  }
0x68: {  	s1 =	rddreg [dreg:$0x1];
	p0 =	sne.s32 s2, $0x0  }
0x69: {  	s3 =	rddreg [dreg:$0x2];
	[bflag:$0x3] =	sbarrier.arrive $0xFFFF;
	s2 =	simm.s32 @!p0 $0x1C03  }
0x6a: {  	[timem:s3], [sflag:s2] =	dma.local @!p0 [hbm:s0], s1  }
0x6b: {  	s0 =	simm.s32 @!p0 $0x3  }
0x6c: {  	_ =	swait.ge @!p0 [sflag:s0], s1  }
0x6d: {  	s1 =	ssub.s32 @!p0 $0x0, s1;
	[sflag:s0] =	ssyncset.done @!p0 $0x0  }
0x6e: {  	[sflag:s0] =	ssyncadd.s32 @!p0 s1  }
0x6f: {  	[bflag:$0x3] =	sbarrier.arrive $0xFFFF  }
0x70: {  	_ =	shalt  }

</sc_bundles>
